<compile_context>
chip_gen: v7x
topology: tpu7x:2x2x1
jax: 0.10.2.dev20260603
libtpu: 0.0.44.dev20260713+nightly
codegen_flags: <defaults>
</compile_context>

<pallas_src>
import functools

import jax
import jax.numpy as jnp
from jax import lax
from jax.experimental import pallas as pl
from jax.experimental.pallas import tpu as pltpu
from jax.experimental.pallas import tpu_sc as plsc

BATCH = 16384
HIST = 200
D = 64
B = BATCH * HIST
NC, NS = 2, 16
NW = NC * NS
BAPW = BATCH // NW
CB = 4
CR = CB * HIST
CS = 896
NG = CS // 128
NCH = BAPW // CB

_mesh = plsc.VectorSubcoreMesh(core_axis_name="c", subcore_axis_name="s")


@functools.partial(
    pl.kernel,
    mesh=_mesh,
    out_type=jax.ShapeDtypeStruct((BATCH, HIST, 2 * D), jnp.float32),
    scratch_types=[
        pltpu.VMEM((8, 128), jnp.int32),
        pltpu.VMEM((8, 128), jnp.int32),
        pltpu.VMEM((2, CS, D), jnp.float32),
        pltpu.SemaphoreType.DMA,
        pltpu.SemaphoreType.DMA,
        pltpu.SemaphoreType.DMA,
        pltpu.SemaphoreType.DMA,
        pltpu.SemaphoreType.DMA,
        pltpu.SemaphoreType.DMA,
    ],
    compiler_params=pltpu.CompilerParams(use_tc_tiling_on_sc=False),
)
def _emb_gather(idx_hbm, table_hbm, out_hbm, idx_v0, idx_v1, rows_v,
                sin0, sin1, sout0, sout1, sidx0, sidx1):
    wid = lax.axis_index("s") * NC + lax.axis_index("c")
    bbase = wid * BAPW
    idx_v = (idx_v0, idx_v1)
    sin = (sin0, sin1)
    sout = (sout0, sout1)
    sidx = (sidx0, sidx1)

    def fire_idx(h, q):
        pltpu.async_copy(
            idx_hbm.at[pl.ds((wid * NCH + h) * 8, 8)], idx_v[q], sidx[q])

    def wait_idx(q):
        pltpu.make_async_copy(
            idx_hbm.at[pl.ds(0, 8)], idx_v[q], sidx[q]).wait()

    def fire_gathers(b, q):
        for k in range(NG):
            pltpu.async_copy(
                table_hbm.at[idx_v[q].at[k]],
                rows_v.at[b, pl.ds(k * 128, 128)],
                sin[b],
            )

    def wait_gathers(b):
        pltpu.make_async_copy(
            table_hbm.at[pl.ds(0, CS)], rows_v.at[b], sin[b]).wait()

    def fire_writes(h, b):
        for i in range(CB):
            pltpu.async_copy(
                rows_v.at[b, pl.ds(i * HIST, HIST)],
                out_hbm.at[bbase + h * CB + i, pl.ds(0, HIST), pl.ds(0, D)],
                sout[b],
            )

    def wait_writes(b):
        pltpu.make_async_copy(
            rows_v.at[b, pl.ds(0, CR)], table_hbm.at[pl.ds(0, CR)],
            sout[b]).wait()

    fire_idx(0, 0)
    fire_idx(1, 1)
    wait_idx(0)
    fire_gathers(0, 0)
    wait_idx(1)
    fire_gathers(1, 1)
    wait_gathers(0)
    fire_writes(0, 0)
    fire_idx(2, 0)

    def body(u, carry):
        h = 2 + 2 * u
        wait_idx(0)
        wait_writes(0)
        fire_gathers(0, 0)
        wait_gathers(1)
        fire_writes(h - 1, 1)
        fire_idx(h + 1, 1)
        wait_idx(1)
        wait_writes(1)
        fire_gathers(1, 1)
        wait_gathers(0)
        fire_writes(h, 0)
        fire_idx(h + 2, 0)
        return carry

    lax.fori_loop(0, (NCH - 4) // 2, body, 0)

    h = NCH - 2
    wait_idx(0)
    wait_writes(0)
    fire_gathers(0, 0)
    wait_gathers(1)
    fire_writes(h - 1, 1)
    fire_idx(h + 1, 1)
    wait_idx(1)
    wait_writes(1)
    fire_gathers(1, 1)
    wait_gathers(0)
    fire_writes(h, 0)
    wait_gathers(1)
    fire_writes(h + 1, 1)
    wait_writes(0)
    wait_writes(1)


def kernel(indices, table):
    idx_c = indices.reshape(B // CR, CR)
    idx_p = jnp.pad(idx_c, ((0, 0), (0, 1024 - CR)), mode="wrap")
    out = _emb_gather(idx_p.reshape(-1, 128), table)
    return out[:, :, :D]

# --- scband reference (transcript-rebuilt; emitter-appended) ---
"""Pipeline reference for scband-embedding-63574105915601 (READ-ONLY COPY).

The authoritative reference and input builder live on the scoring server;
editing this copy changes nothing except your own understanding.
"""

import jax, jax.numpy as jnp
import numpy as np

NUM_EMBEDDINGS = 1000000
EMBED_DIMS = 64
PADDING_TOKEN_INDEX = 1
BATCH = 16384
HIST_LEN = 200


def setup_inputs(seed: int = 0) -> dict:
    key = jax.random.key(seed)
    k_idx, k_tbl = jax.random.split(key)
    indices = jax.random.randint(k_idx, (BATCH, HIST_LEN), 0, NUM_EMBEDDINGS, dtype=jnp.int64 if jax.config.read('jax_enable_x64') else jnp.int32)
    # xavier normal init: std = sqrt(2 / (fan_in + fan_out))
    std = (2.0 / (NUM_EMBEDDINGS + EMBED_DIMS)) ** 0.5
    table = jax.random.normal(k_tbl, (NUM_EMBEDDINGS, EMBED_DIMS), dtype=jnp.float32) * std
    # padding token row is zeroed at init, matching _initialize_table
    table = table.at[PADDING_TOKEN_INDEX, :].set(0.0)
    return {"indices": indices, "table": table}


def reference(indices, table):
    # Faithful translation of custom.embedding_forward: a plain row gather.
    # The padding row of the table is zero, so padding tokens naturally map
    # to zero vectors.
    return jnp.take(table, indices, axis=0)

if __name__ == "__main__":
    import jax
    _d = setup_inputs()
    print(jax.jit(kernel)(*tuple(_d.values())))

</pallas_src>

<mosaic_0001>
#map = affine_map<(d0, d1) -> (0, 0)>
#map1 = affine_map<(d0, d1) -> (0, 0, 0)>
module attributes {stable_mosaic.version = 14 : i64} {
  func.func @_emb_gather(%arg0: i32, %arg1: i32, %arg2: memref<32768x128xi32, #tpu.memory_space<hbm>>, %arg3: memref<1000000x64xf32, #tpu.memory_space<hbm>>, %arg4: memref<16384x200x128xf32, #tpu.memory_space<hbm>>, %arg5: memref<8x128xi32, #tpu.memory_space<vmem>>, %arg6: memref<8x128xi32, #tpu.memory_space<vmem>>, %arg7: memref<2x896x64xf32, #tpu.memory_space<vmem>>, %arg8: memref<!tpu.dma_semaphore, #tpu.memory_space<semaphore_mem>>, %arg9: memref<!tpu.dma_semaphore, #tpu.memory_space<semaphore_mem>>, %arg10: memref<!tpu.dma_semaphore, #tpu.memory_space<semaphore_mem>>, %arg11: memref<!tpu.dma_semaphore, #tpu.memory_space<semaphore_mem>>, %arg12: memref<!tpu.dma_semaphore, #tpu.memory_space<semaphore_mem>>, %arg13: memref<!tpu.dma_semaphore, #tpu.memory_space<semaphore_mem>>) attributes {dimension_semantics = [#tpu.dimension_semantics<core_parallel>, #tpu.dimension_semantics<subcore_parallel>], iteration_bounds = array<i64: 2, 16>, scalar_prefetch = 0 : i64, scratch_operands = 9 : i64, tpu.core_type = #tpu.core_type<sc_vector_subcore>, window_params = [{transform_indices = #map}, {transform_indices = #map}, {transform_indices = #map1}]} {
    %mul3A = arith.constant 2 : i32
    %mul3A_0 = arith.muli %arg1, %mul3A : i32
    %add3A = arith.addi %mul3A_0, %arg0 : i32
    %mul3A_1 = arith.constant 512 : i32
    %mul3A_2 = arith.muli %add3A, %mul3A_1 : i32
    %mul3A_3 = arith.constant 128 : i32
    %mul3A_4 = arith.muli %add3A, %mul3A_3 : i32
    %add3A_5 = arith.constant 0 : i32
    %add3A_6 = arith.addi %mul3A_4, %add3A_5 : i32
    %mul3A_7 = arith.constant 8 : i32
    %mul3A_8 = arith.muli %add3A_6, %mul3A_7 : i32
    %dma_start3A = arith.constant 0 : i32
    %dma_start3A_9 = tpu.memref_slice %arg2[%mul3A_8, %dma_start3A] : memref<32768x128xi32, #tpu.memory_space<hbm>> -> memref<8x128xi32, #tpu.memory_space<hbm>>
    %dma_start3A_10 = arith.constant 0 : i32
    %dma_start3A_11 = tpu.memref_slice %arg2[%mul3A_8, %dma_start3A_10] : memref<32768x128xi32, #tpu.memory_space<hbm>> -> memref<8x128xi32, #tpu.memory_space<hbm>>
    tpu.enqueue_dma source(%dma_start3A_11 : memref<8x128xi32, #tpu.memory_space<hbm>>) target(%arg5 : memref<8x128xi32, #tpu.memory_space<vmem>>) target_semaphore(%arg12 : memref<!tpu.dma_semaphore, #tpu.memory_space<semaphore_mem>>)
    %mul3A_12 = arith.constant 128 : i32
    %mul3A_13 = arith.muli %add3A, %mul3A_12 : i32
    %add3A_14 = arith.constant 1 : i32
    %add3A_15 = arith.addi %mul3A_13, %add3A_14 : i32
    %mul3A_16 = arith.constant 8 : i32
    %mul3A_17 = arith.muli %add3A_15, %mul3A_16 : i32
    %dma_start3A_18 = arith.constant 0 : i32
    %dma_start3A_19 = tpu.memref_slice %arg2[%mul3A_17, %dma_start3A_18] : memref<32768x128xi32, #tpu.memory_space<hbm>> -> memref<8x128xi32, #tpu.memory_space<hbm>>
    %dma_start3A_20 = arith.constant 0 : i32
    %dma_start3A_21 = tpu.memref_slice %arg2[%mul3A_17, %dma_start3A_20] : memref<32768x128xi32, #tpu.memory_space<hbm>> -> memref<8x128xi32, #tpu.memory_space<hbm>>
    tpu.enqueue_dma source(%dma_start3A_21 : memref<8x128xi32, #tpu.memory_space<hbm>>) target(%arg6 : memref<8x128xi32, #tpu.memory_space<vmem>>) target_semaphore(%arg13 : memref<!tpu.dma_semaphore, #tpu.memory_space<semaphore_mem>>)
    %dma_wait3A = arith.constant 0 : i32
    %dma_wait3A_22 = arith.constant 0 : i32
    %dma_wait3A_23 = tpu.memref_slice %arg2[%dma_wait3A, %dma_wait3A_22] : memref<32768x128xi32, #tpu.memory_space<hbm>> -> memref<8x128xi32, #tpu.memory_space<hbm>>
    %dma_wait3A_24 = arith.constant 0 : i32
    %dma_wait3A_25 = arith.constant 0 : i32
    %dma_wait3A_26 = tpu.memref_slice %arg2[%dma_wait3A_24, %dma_wait3A_25] : memref<32768x128xi32, #tpu.memory_space<hbm>> -> memref<8x128xi32, #tpu.memory_space<hbm>>
    tpu.wait_dma2 semaphore(%arg12 : memref<!tpu.dma_semaphore, #tpu.memory_space<semaphore_mem>>) src(%dma_wait3A_26 : memref<8x128xi32, #tpu.memory_space<hbm>>) dst(%arg5 : memref<8x128xi32, #tpu.memory_space<vmem>>)
    %dma_start3A_27 = arith.constant 0 : i32
    %dma_start3A_28 = arith.constant 0 : i32
    %dma_start3A_29 = arith.constant 0 : i32
    %dma_start3A_30 = arith.constant 0 : i32
    %dma_start3A_31 = tpu.memref_slice %arg7[%dma_start3A_28, %dma_start3A_29, %dma_start3A_30] : memref<2x896x64xf32, #tpu.memory_space<vmem>> -> memref<1x128x64xf32, #tpu.memory_space<vmem>>
    %dma_start3A_32 = tpu.memref_squeeze %dma_start3A_31 : memref<1x128x64xf32, #tpu.memory_space<vmem>> -> memref<128x64xf32, #tpu.memory_space<vmem>>
    %dma_start3A_33 = arith.constant 0 : i32
    %dma_start3A_34 = tpu.memref_slice %arg5[%dma_start3A_27, %dma_start3A_33] : memref<8x128xi32, #tpu.memory_space<vmem>> -> memref<1x128xi32, #tpu.memory_space<vmem>>
    %dma_start3A_35 = tpu.memref_squeeze %dma_start3A_34 : memref<1x128xi32, #tpu.memory_space<vmem>> -> memref<128xi32, #tpu.memory_space<vmem>>
    %dma_start3A_36 = arith.constant 0 : i32
    %dma_start3A_37 = arith.constant 0 : i32
    %dma_start3A_38 = tpu.memref_slice %arg3[%dma_start3A_36, %dma_start3A_37] : memref<1000000x64xf32, #tpu.memory_space<hbm>> -> memref<1000000x64xf32, #tpu.memory_space<hbm>>
    tpu.enqueue_indirect_dma source(%dma_start3A_38 : memref<1000000x64xf32, #tpu.memory_space<hbm>>) target(%dma_start3A_32 : memref<128x64xf32, #tpu.memory_space<vmem>>) offsets(%dma_start3A_35 : memref<128xi32, #tpu.memory_space<vmem>>) semaphore(%arg8 : memref<!tpu.dma_semaphore, #tpu.memory_space<semaphore_mem>>)
    %dma_start3A_39 = arith.constant 1 : i32
    %dma_start3A_40 = arith.constant 0 : i32
    %dma_start3A_41 = arith.constant 128 : i32
    %dma_start3A_42 = arith.constant 0 : i32
    %dma_start3A_43 = tpu.memref_slice %arg7[%dma_start3A_40, %dma_start3A_41, %dma_start3A_42] : memref<2x896x64xf32, #tpu.memory_space<vmem>> -> memref<1x128x64xf32, #tpu.memory_space<vmem>>
    %dma_start3A_44 = tpu.memref_squeeze %dma_start3A_43 : memref<1x128x64xf32, #tpu.memory_space<vmem>> -> memref<128x64xf32, #tpu.memory_space<vmem>>
    %dma_start3A_45 = arith.constant 0 : i32
    %dma_start3A_46 = tpu.memref_slice %arg5[%dma_start3A_39, %dma_start3A_45] : memref<8x128xi32, #tpu.memory_space<vmem>> -> memref<1x128xi32, #tpu.memory_space<vmem>>
    %dma_start3A_47 = tpu.memref_squeeze %dma_start3A_46 : memref<1x128xi32, #tpu.memory_space<vmem>> -> memref<128xi32, #tpu.memory_space<vmem>>
    %dma_start3A_48 = arith.constant 0 : i32
    %dma_start3A_49 = arith.constant 0 : i32
    %dma_start3A_50 = tpu.memref_slice %arg3[%dma_start3A_48, %dma_start3A_49] : memref<1000000x64xf32, #tpu.memory_space<hbm>> -> memref<1000000x64xf32, #tpu.memory_space<hbm>>
    tpu.enqueue_indirect_dma source(%dma_start3A_50 : memref<1000000x64xf32, #tpu.memory_space<hbm>>) target(%dma_start3A_44 : memref<128x64xf32, #tpu.memory_space<vmem>>) offsets(%dma_start3A_47 : memref<128xi32, #tpu.memory_space<vmem>>) semaphore(%arg8 : memref<!tpu.dma_semaphore, #tpu.memory_space<semaphore_mem>>)
    %dma_start3A_51 = arith.constant 2 : i32
    %dma_start3A_52 = arith.constant 0 : i32
    %dma_start3A_53 = arith.constant 256 : i32
    %dma_start3A_54 = arith.constant 0 : i32
    %dma_start3A_55 = tpu.memref_slice %arg7[%dma_start3A_52, %dma_start3A_53, %dma_start3A_54] : memref<2x896x64xf32, #tpu.memory_space<vmem>> -> memref<1x128x64xf32, #tpu.memory_space<vmem>>
    %dma_start3A_56 = tpu.memref_squeeze %dma_start3A_55 : memref<1x128x64xf32, #tpu.memory_space<vmem>> -> memref<128x64xf32, #tpu.memory_space<vmem>>
    %dma_start3A_57 = arith.constant 0 : i32
    %dma_start3A_58 = tpu.memref_slice %arg5[%dma_start3A_51, %dma_start3A_57] : memref<8x128xi32, #tpu.memory_space<vmem>> -> memref<1x128xi32, #tpu.memory_space<vmem>>
    %dma_start3A_59 = tpu.memref_squeeze %dma_start3A_58 : memref<1x128xi32, #tpu.memory_space<vmem>> -> memref<128xi32, #tpu.memory_space<vmem>>
    %dma_start3A_60 = arith.constant 0 : i32
    %dma_start3A_61 = arith.constant 0 : i32
    %dma_start3A_62 = tpu.memref_slice %arg3[%dma_start3A_60, %dma_start3A_61] : memref<1000000x64xf32, #tpu.memory_space<hbm>> -> memref<1000000x64xf32, #tpu.memory_space<hbm>>
    tpu.enqueue_indirect_dma source(%dma_start3A_62 : memref<1000000x64xf32, #tpu.memory_space<hbm>>) target(%dma_start3A_56 : memref<128x64xf32, #tpu.memory_space<vmem>>) offsets(%dma_start3A_59 : memref<128xi32, #tpu.memory_space<vmem>>) semaphore(%arg8 : memref<!tpu.dma_semaphore, #tpu.memory_space<semaphore_mem>>)
    %dma_start3A_63 = arith.constant 3 : i32
    %dma_start3A_64 = arith.constant 0 : i32
    %dma_start3A_65 = arith.constant 384 : i32
    %dma_start3A_66 = arith.constant 0 : i32
    %dma_start3A_67 = tpu.memref_slice %arg7[%dma_start3A_64, %dma_start3A_65, %dma_start3A_66] : memref<2x896x64xf32, #tpu.memory_space<vmem>> -> memref<1x128x64xf32, #tpu.memory_space<vmem>>
    %dma_start3A_68 = tpu.memref_squeeze %dma_start3A_67 : memref<1x128x64xf32, #tpu.memory_space<vmem>> -> memref<128x64xf32, #tpu.memory_space<vmem>>
    %dma_start3A_69 = arith.constant 0 : i32
    %dma_start3A_70 = tpu.memref_slice %arg5[%dma_start3A_63, %dma_start3A_69] : memref<8x128xi32, #tpu.memory_space<vmem>> -> memref<1x128xi32, #tpu.memory_space<vmem>>
    %dma_start3A_71 = tpu.memref_squeeze %dma_start3A_70 : memref<1x128xi32, #tpu.memory_space<vmem>> -> memref<128xi32, #tpu.memory_space<vmem>>
    %dma_start3A_72 = arith.constant 0 : i32
    %dma_start3A_73 = arith.constant 0 : i32
    %dma_start3A_74 = tpu.memref_slice %arg3[%dma_start3A_72, %dma_start3A_73] : memref<1000000x64xf32, #tpu.memory_space<hbm>> -> memref<1000000x64xf32, #tpu.memory_space<hbm>>
    tpu.enqueue_indirect_dma source(%dma_start3A_74 : memref<1000000x64xf32, #tpu.memory_space<hbm>>) target(%dma_start3A_68 : memref<128x64xf32, #tpu.memory_space<vmem>>) offsets(%dma_start3A_71 : memref<128xi32, #tpu.memory_space<vmem>>) semaphore(%arg8 : memref<!tpu.dma_semaphore, #tpu.memory_space<semaphore_mem>>)
    %dma_start3A_75 = arith.constant 4 : i32
    %dma_start3A_76 = arith.constant 0 : i32
    %dma_start3A_77 = arith.constant 512 : i32
    %dma_start3A_78 = arith.constant 0 : i32
    %dma_start3A_79 = tpu.memref_slice %arg7[%dma_start3A_76, %dma_start3A_77, %dma_start3A_78] : memref<2x896x64xf32, #tpu.memory_space<vmem>> -> memref<1x128x64xf32, #tpu.memory_space<vmem>>
    %dma_start3A_80 = tpu.memref_squeeze %dma_start3A_79 : memref<1x128x64xf32, #tpu.memory_space<vmem>> -> memref<128x64xf32, #tpu.memory_space<vmem>>
    %dma_start3A_81 = arith.constant 0 : i32
    %dma_start3A_82 = tpu.memref_slice %arg5[%dma_start3A_75, %dma_start3A_81] : memref<8x128xi32, #tpu.memory_space<vmem>> -> memref<1x128xi32, #tpu.memory_space<vmem>>
    %dma_start3A_83 = tpu.memref_squeeze %dma_start3A_82 : memref<1x128xi32, #tpu.memory_space<vmem>> -> memref<128xi32, #tpu.memory_space<vmem>>
    %dma_start3A_84 = arith.constant 0 : i32
    %dma_start3A_85 = arith.constant 0 : i32
    %dma_start3A_86 = tpu.memref_slice %arg3[%dma_start3A_84, %dma_start3A_85] : memref<1000000x64xf32, #tpu.memory_space<hbm>> -> memref<1000000x64xf32, #tpu.memory_space<hbm>>
    tpu.enqueue_indirect_dma source(%dma_start3A_86 : memref<1000000x64xf32, #tpu.memory_space<hbm>>) target(%dma_start3A_80 : memref<128x64xf32, #tpu.memory_space<vmem>>) offsets(%dma_start3A_83 : memref<128xi32, #tpu.memory_space<vmem>>) semaphore(%arg8 : memref<!tpu.dma_semaphore, #tpu.memory_space<semaphore_mem>>)
    %dma_start3A_87 = arith.constant 5 : i32
    %dma_start3A_88 = arith.constant 0 : i32
    %dma_start3A_89 = arith.constant 640 : i32
    %dma_start3A_90 = arith.constant 0 : i32
    %dma_start3A_91 = tpu.memref_slice %arg7[%dma_start3A_88, %dma_start3A_89, %dma_start3A_90] : memref<2x896x64xf32, #tpu.memory_space<vmem>> -> memref<1x128x64xf32, #tpu.memory_space<vmem>>
    %dma_start3A_92 = tpu.memref_squeeze %dma_start3A_91 : memref<1x128x64xf32, #tpu.memory_space<vmem>> -> memref<128x64xf32, #tpu.memory_space<vmem>>
    %dma_start3A_93 = arith.constant 0 : i32
    %dma_start3A_94 = tpu.memref_slice %arg5[%dma_start3A_87, %dma_start3A_93] : memref<8x128xi32, #tpu.memory_space<vmem>> -> memref<1x128xi32, #tpu.memory_space<vmem>>
    %dma_start3A_95 = tpu.memref_squeeze %dma_start3A_94 : memref<1x128xi32, #tpu.memory_space<vmem>> -> memref<128xi32, #tpu.memory_space<vmem>>
    %dma_start3A_96 = arith.constant 0 : i32
    %dma_start3A_97 = arith.constant 0 : i32
    %dma_start3A_98 = tpu.memref_slice %arg3[%dma_start3A_96, %dma_start3A_97] : memref<1000000x64xf32, #tpu.memory_space<hbm>> -> memref<1000000x64xf32, #tpu.memory_space<hbm>>
    tpu.enqueue_indirect_dma source(%dma_start3A_98 : memref<1000000x64xf32, #tpu.memory_space<hbm>>) target(%dma_start3A_92 : memref<128x64xf32, #tpu.memory_space<vmem>>) offsets(%dma_start3A_95 : memref<128xi32, #tpu.memory_space<vmem>>) semaphore(%arg8 : memref<!tpu.dma_semaphore, #tpu.memory_space<semaphore_mem>>)
    %dma_start3A_99 = arith.constant 6 : i32
    %dma_start3A_100 = arith.constant 0 : i32
    %dma_start3A_101 = arith.constant 768 : i32
    %dma_start3A_102 = arith.constant 0 : i32
    %dma_start3A_103 = tpu.memref_slice %arg7[%dma_start3A_100, %dma_start3A_101, %dma_start3A_102] : memref<2x896x64xf32, #tpu.memory_space<vmem>> -> memref<1x128x64xf32, #tpu.memory_space<vmem>>
    %dma_start3A_104 = tpu.memref_squeeze %dma_start3A_103 : memref<1x128x64xf32, #tpu.memory_space<vmem>> -> memref<128x64xf32, #tpu.memory_space<vmem>>
    %dma_start3A_105 = arith.constant 0 : i32
    %dma_start3A_106 = tpu.memref_slice %arg5[%dma_start3A_99, %dma_start3A_105] : memref<8x128xi32, #tpu.memory_space<vmem>> -> memref<1x128xi32, #tpu.memory_space<vmem>>
    %dma_start3A_107 = tpu.memref_squeeze %dma_start3A_106 : memref<1x128xi32, #tpu.memory_space<vmem>> -> memref<128xi32, #tpu.memory_space<vmem>>
    %dma_start3A_108 = arith.constant 0 : i32
    %dma_start3A_109 = arith.constant 0 : i32
    %dma_start3A_110 = tpu.memref_slice %arg3[%dma_start3A_108, %dma_start3A_109] : memref<1000000x64xf32, #tpu.memory_space<hbm>> -> memref<1000000x64xf32, #tpu.memory_space<hbm>>
    tpu.enqueue_indirect_dma source(%dma_start3A_110 : memref<1000000x64xf32, #tpu.memory_space<hbm>>) target(%dma_start3A_104 : memref<128x64xf32, #tpu.memory_space<vmem>>) offsets(%dma_start3A_107 : memref<128xi32, #tpu.memory_space<vmem>>) semaphore(%arg8 : memref<!tpu.dma_semaphore, #tpu.memory_space<semaphore_mem>>)
    %dma_wait3A_111 = arith.constant 0 : i32
    %dma_wait3A_112 = arith.constant 0 : i32
    %dma_wait3A_113 = tpu.memref_slice %arg2[%dma_wait3A_111, %dma_wait3A_112] : memref<32768x128xi32, #tpu.memory_space<hbm>> -> memref<8x128xi32, #tpu.memory_space<hbm>>
    %dma_wait3A_114 = arith.constant 0 : i32
    %dma_wait3A_115 = arith.constant 0 : i32
    %dma_wait3A_116 = tpu.memref_slice %arg2[%dma_wait3A_114, %dma_wait3A_115] : memref<32768x128xi32, #tpu.memory_space<hbm>> -> memref<8x128xi32, #tpu.memory_space<hbm>>
    tpu.wait_dma2 semaphore(%arg13 : memref<!tpu.dma_semaphore, #tpu.memory_space<semaphore_mem>>) src(%dma_wait3A_116 : memref<8x128xi32, #tpu.memory_space<hbm>>) dst(%arg6 : memref<8x128xi32, #tpu.memory_space<vmem>>)
    %dma_start3A_117 = arith.constant 0 : i32
    %dma_start3A_118 = arith.constant 1 : i32
    %dma_start3A_119 = arith.constant 0 : i32
    %dma_start3A_120 = arith.constant 0 : i32
    %dma_start3A_121 = tpu.memref_slice %arg7[%dma_start3A_118, %dma_start3A_119, %dma_start3A_120] : memref<2x896x64xf32, #tpu.memory_space<vmem>> -> memref<1x128x64xf32, #tpu.memory_space<vmem>>
    %dma_start3A_122 = tpu.memref_squeeze %dma_start3A_121 : memref<1x128x64xf32, #tpu.memory_space<vmem>> -> memref<128x64xf32, #tpu.memory_space<vmem>>
    %dma_start3A_123 = arith.constant 0 : i32
    %dma_start3A_124 = tpu.memref_slice %arg6[%dma_start3A_117, %dma_start3A_123] : memref<8x128xi32, #tpu.memory_space<vmem>> -> memref<1x128xi32, #tpu.memory_space<vmem>>
    %dma_start3A_125 = tpu.memref_squeeze %dma_start3A_124 : memref<1x128xi32, #tpu.memory_space<vmem>> -> memref<128xi32, #tpu.memory_space<vmem>>
    %dma_start3A_126 = arith.constant 0 : i32
    %dma_start3A_127 = arith.constant 0 : i32
    %dma_start3A_128 = tpu.memref_slice %arg3[%dma_start3A_126, %dma_start3A_127] : memref<1000000x64xf32, #tpu.memory_space<hbm>> -> memref<1000000x64xf32, #tpu.memory_space<hbm>>
    tpu.enqueue_indirect_dma source(%dma_start3A_128 : memref<1000000x64xf32, #tpu.memory_space<hbm>>) target(%dma_start3A_122 : memref<128x64xf32, #tpu.memory_space<vmem>>) offsets(%dma_start3A_125 : memref<128xi32, #tpu.memory_space<vmem>>) semaphore(%arg9 : memref<!tpu.dma_semaphore, #tpu.memory_space<semaphore_mem>>)
    %dma_start3A_129 = arith.constant 1 : i32
    %dma_start3A_130 = arith.constant 1 : i32
    %dma_start3A_131 = arith.constant 128 : i32
    %dma_start3A_132 = arith.constant 0 : i32
    %dma_start3A_133 = tpu.memref_slice %arg7[%dma_start3A_130, %dma_start3A_131, %dma_start3A_132] : memref<2x896x64xf32, #tpu.memory_space<vmem>> -> memref<1x128x64xf32, #tpu.memory_space<vmem>>
    %dma_start3A_134 = tpu.memref_squeeze %dma_start3A_133 : memref<1x128x64xf32, #tpu.memory_space<vmem>> -> memref<128x64xf32, #tpu.memory_space<vmem>>
    %dma_start3A_135 = arith.constant 0 : i32
    %dma_start3A_136 = tpu.memref_slice %arg6[%dma_start3A_129, %dma_start3A_135] : memref<8x128xi32, #tpu.memory_space<vmem>> -> memref<1x128xi32, #tpu.memory_space<vmem>>
    %dma_start3A_137 = tpu.memref_squeeze %dma_start3A_136 : memref<1x128xi32, #tpu.memory_space<vmem>> -> memref<128xi32, #tpu.memory_space<vmem>>
    %dma_start3A_138 = arith.constant 0 : i32
    %dma_start3A_139 = arith.constant 0 : i32
    %dma_start3A_140 = tpu.memref_slice %arg3[%dma_start3A_138, %dma_start3A_139] : memref<1000000x64xf32, #tpu.memory_space<hbm>> -> memref<1000000x64xf32, #tpu.memory_space<hbm>>
    tpu.enqueue_indirect_dma source(%dma_start3A_140 : memref<1000000x64xf32, #tpu.memory_space<hbm>>) target(%dma_start3A_134 : memref<128x64xf32, #tpu.memory_space<vmem>>) offsets(%dma_start3A_137 : memref<128xi32, #tpu.memory_space<vmem>>) semaphore(%arg9 : memref<!tpu.dma_semaphore, #tpu.memory_space<semaphore_mem>>)
    %dma_start3A_141 = arith.constant 2 : i32
    %dma_start3A_142 = arith.constant 1 : i32
    %dma_start3A_143 = arith.constant 256 : i32
    %dma_start3A_144 = arith.constant 0 : i32
    %dma_start3A_145 = tpu.memref_slice %arg7[%dma_start3A_142, %dma_start3A_143, %dma_start3A_144] : memref<2x896x64xf32, #tpu.memory_space<vmem>> -> memref<1x128x64xf32, #tpu.memory_space<vmem>>
    %dma_start3A_146 = tpu.memref_squeeze %dma_start3A_145 : memref<1x128x64xf32, #tpu.memory_space<vmem>> -> memref<128x64xf32, #tpu.memory_space<vmem>>
    %dma_start3A_147 = arith.constant 0 : i32
    %dma_start3A_148 = tpu.memref_slice %arg6[%dma_start3A_141, %dma_start3A_147] : memref<8x128xi32, #tpu.memory_space<vmem>> -> memref<1x128xi32, #tpu.memory_space<vmem>>
    %dma_start3A_149 = tpu.memref_squeeze %dma_start3A_148 : memref<1x128xi32, #tpu.memory_space<vmem>> -> memref<128xi32, #tpu.memory_space<vmem>>
    %dma_start3A_150 = arith.constant 0 : i32
    %dma_start3A_151 = arith.constant 0 : i32
    %dma_start3A_152 = tpu.memref_slice %arg3[%dma_start3A_150, %dma_start3A_151] : memref<1000000x64xf32, #tpu.memory_space<hbm>> -> memref<1000000x64xf32, #tpu.memory_space<hbm>>
    tpu.enqueue_indirect_dma source(%dma_start3A_152 : memref<1000000x64xf32, #tpu.memory_space<hbm>>) target(%dma_start3A_146 : memref<128x64xf32, #tpu.memory_space<vmem>>) offsets(%dma_start3A_149 : memref<128xi32, #tpu.memory_space<vmem>>) semaphore(%arg9 : memref<!tpu.dma_semaphore, #tpu.memory_space<semaphore_mem>>)
    %dma_start3A_153 = arith.constant 3 : i32
    %dma_start3A_154 = arith.constant 1 : i32
    %dma_start3A_155 = arith.constant 384 : i32
    %dma_start3A_156 = arith.constant 0 : i32
    %dma_start3A_157 = tpu.memref_slice %arg7[%dma_start3A_154, %dma_start3A_155, %dma_start3A_156] : memref<2x896x64xf32, #tpu.memory_space<vmem>> -> memref<1x128x64xf32, #tpu.memory_space<vmem>>
    %dma_start3A_158 = tpu.memref_squeeze %dma_start3A_157 : memref<1x128x64xf32, #tpu.memory_space<vmem>> -> memref<128x64xf32, #tpu.memory_space<vmem>>
    %dma_start3A_159 = arith.constant 0 : i32
    %dma_start3A_160 = tpu.memref_slice %arg6[%dma_start3A_153, %dma_start3A_159] : memref<8x128xi32, #tpu.memory_space<vmem>> -> memref<1x128xi32, #tpu.memory_space<vmem>>
    %dma_start3A_161 = tpu.memref_squeeze %dma_start3A_160 : memref<1x128xi32, #tpu.memory_space<vmem>> -> memref<128xi32, #tpu.memory_space<vmem>>
    %dma_start3A_162 = arith.constant 0 : i32
    %dma_start3A_163 = arith.constant 0 : i32
    %dma_start3A_164 = tpu.memref_slice %arg3[%dma_start3A_162, %dma_start3A_163] : memref<1000000x64xf32, #tpu.memory_space<hbm>> -> memref<1000000x64xf32, #tpu.memory_space<hbm>>
    tpu.enqueue_indirect_dma source(%dma_start3A_164 : memref<1000000x64xf32, #tpu.memory_space<hbm>>) target(%dma_start3A_158 : memref<128x64xf32, #tpu.memory_space<vmem>>) offsets(%dma_start3A_161 : memref<128xi32, #tpu.memory_space<vmem>>) semaphore(%arg9 : memref<!tpu.dma_semaphore, #tpu.memory_space<semaphore_mem>>)
    %dma_start3A_165 = arith.constant 4 : i32
    %dma_start3A_166 = arith.constant 1 : i32
    %dma_start3A_167 = arith.constant 512 : i32
    %dma_start3A_168 = arith.constant 0 : i32
    %dma_start3A_169 = tpu.memref_slice %arg7[%dma_start3A_166, %dma_start3A_167, %dma_start3A_168] : memref<2x896x64xf32, #tpu.memory_space<vmem>> -> memref<1x128x64xf32, #tpu.memory_space<vmem>>
    %dma_start3A_170 = tpu.memref_squeeze %dma_start3A_169 : memref<1x128x64xf32, #tpu.memory_space<vmem>> -> memref<128x64xf32, #tpu.memory_space<vmem>>
    %dma_start3A_171 = arith.constant 0 : i32
    %dma_start3A_172 = tpu.memref_slice %arg6[%dma_start3A_165, %dma_start3A_171] : memref<8x128xi32, #tpu.memory_space<vmem>> -> memref<1x128xi32, #tpu.memory_space<vmem>>
    %dma_start3A_173 = tpu.memref_squeeze %dma_start3A_172 : memref<1x128xi32, #tpu.memory_space<vmem>> -> memref<128xi32, #tpu.memory_space<vmem>>
    %dma_start3A_174 = arith.constant 0 : i32
    %dma_start3A_175 = arith.constant 0 : i32
    %dma_start3A_176 = tpu.memref_slice %arg3[%dma_start3A_174, %dma_start3A_175] : memref<1000000x64xf32, #tpu.memory_space<hbm>> -> memref<1000000x64xf32, #tpu.memory_space<hbm>>
    tpu.enqueue_indirect_dma source(%dma_start3A_176 : memref<1000000x64xf32, #tpu.memory_space<hbm>>) target(%dma_start3A_170 : memref<128x64xf32, #tpu.memory_space<vmem>>) offsets(%dma_start3A_173 : memref<128xi32, #tpu.memory_space<vmem>>) semaphore(%arg9 : memref<!tpu.dma_semaphore, #tpu.memory_space<semaphore_mem>>)
    %dma_start3A_177 = arith.constant 5 : i32
    %dma_start3A_178 = arith.constant 1 : i32
    %dma_start3A_179 = arith.constant 640 : i32
    %dma_start3A_180 = arith.constant 0 : i32
    %dma_start3A_181 = tpu.memref_slice %arg7[%dma_start3A_178, %dma_start3A_179, %dma_start3A_180] : memref<2x896x64xf32, #tpu.memory_space<vmem>> -> memref<1x128x64xf32, #tpu.memory_space<vmem>>
    %dma_start3A_182 = tpu.memref_squeeze %dma_start3A_181 : memref<1x128x64xf32, #tpu.memory_space<vmem>> -> memref<128x64xf32, #tpu.memory_space<vmem>>
    %dma_start3A_183 = arith.constant 0 : i32
    %dma_start3A_184 = tpu.memref_slice %arg6[%dma_start3A_177, %dma_start3A_183] : memref<8x128xi32, #tpu.memory_space<vmem>> -> memref<1x128xi32, #tpu.memory_space<vmem>>
    %dma_start3A_185 = tpu.memref_squeeze %dma_start3A_184 : memref<1x128xi32, #tpu.memory_space<vmem>> -> memref<128xi32, #tpu.memory_space<vmem>>
    %dma_start3A_186 = arith.constant 0 : i32
    %dma_start3A_187 = arith.constant 0 : i32
    %dma_start3A_188 = tpu.memref_slice %arg3[%dma_start3A_186, %dma_start3A_187] : memref<1000000x64xf32, #tpu.memory_space<hbm>> -> memref<1000000x64xf32, #tpu.memory_space<hbm>>
    tpu.enqueue_indirect_dma source(%dma_start3A_188 : memref<1000000x64xf32, #tpu.memory_space<hbm>>) target(%dma_start3A_182 : memref<128x64xf32, #tpu.memory_space<vmem>>) offsets(%dma_start3A_185 : memref<128xi32, #tpu.memory_space<vmem>>) semaphore(%arg9 : memref<!tpu.dma_semaphore, #tpu.memory_space<semaphore_mem>>)
    %dma_start3A_189 = arith.constant 6 : i32
    %dma_start3A_190 = arith.constant 1 : i32
    %dma_start3A_191 = arith.constant 768 : i32
    %dma_start3A_192 = arith.constant 0 : i32
    %dma_start3A_193 = tpu.memref_slice %arg7[%dma_start3A_190, %dma_start3A_191, %dma_start3A_192] : memref<2x896x64xf32, #tpu.memory_space<vmem>> -> memref<1x128x64xf32, #tpu.memory_space<vmem>>
    %dma_start3A_194 = tpu.memref_squeeze %dma_start3A_193 : memref<1x128x64xf32, #tpu.memory_space<vmem>> -> memref<128x64xf32, #tpu.memory_space<vmem>>
    %dma_start3A_195 = arith.constant 0 : i32
    %dma_start3A_196 = tpu.memref_slice %arg6[%dma_start3A_189, %dma_start3A_195] : memref<8x128xi32, #tpu.memory_space<vmem>> -> memref<1x128xi32, #tpu.memory_space<vmem>>
    %dma_start3A_197 = tpu.memref_squeeze %dma_start3A_196 : memref<1x128xi32, #tpu.memory_space<vmem>> -> memref<128xi32, #tpu.memory_space<vmem>>
    %dma_start3A_198 = arith.constant 0 : i32
    %dma_start3A_199 = arith.constant 0 : i32
    %dma_start3A_200 = tpu.memref_slice %arg3[%dma_start3A_198, %dma_start3A_199] : memref<1000000x64xf32, #tpu.memory_space<hbm>> -> memref<1000000x64xf32, #tpu.memory_space<hbm>>
    tpu.enqueue_indirect_dma source(%dma_start3A_200 : memref<1000000x64xf32, #tpu.memory_space<hbm>>) target(%dma_start3A_194 : memref<128x64xf32, #tpu.memory_space<vmem>>) offsets(%dma_start3A_197 : memref<128xi32, #tpu.memory_space<vmem>>) semaphore(%arg9 : memref<!tpu.dma_semaphore, #tpu.memory_space<semaphore_mem>>)
    %dma_wait3A_201 = arith.constant 0 : i32
    %dma_wait3A_202 = arith.constant 0 : i32
    %dma_wait3A_203 = arith.constant 0 : i32
    %dma_wait3A_204 = tpu.memref_slice %arg7[%dma_wait3A_201, %dma_wait3A_202, %dma_wait3A_203] : memref<2x896x64xf32, #tpu.memory_space<vmem>> -> memref<1x896x64xf32, #tpu.memory_space<vmem>>
    %dma_wait3A_205 = tpu.memref_squeeze %dma_wait3A_204 : memref<1x896x64xf32, #tpu.memory_space<vmem>> -> memref<896x64xf32, #tpu.memory_space<vmem>>
    %dma_wait3A_206 = arith.constant 0 : i32
    %dma_wait3A_207 = arith.constant 0 : i32
    %dma_wait3A_208 = tpu.memref_slice %arg3[%dma_wait3A_206, %dma_wait3A_207] : memref<1000000x64xf32, #tpu.memory_space<hbm>> -> memref<896x64xf32, #tpu.memory_space<hbm>>
    %dma_wait3A_209 = arith.constant 0 : i32
    %dma_wait3A_210 = arith.constant 0 : i32
    %dma_wait3A_211 = tpu.memref_slice %arg7[%dma_wait3A_201, %dma_wait3A_209, %dma_wait3A_210] : memref<2x896x64xf32, #tpu.memory_space<vmem>> -> memref<1x896x64xf32, #tpu.memory_space<vmem>>
    %dma_wait3A_212 = tpu.memref_squeeze %dma_wait3A_211 : memref<1x896x64xf32, #tpu.memory_space<vmem>> -> memref<896x64xf32, #tpu.memory_space<vmem>>
    %dma_wait3A_213 = arith.constant 0 : i32
    %dma_wait3A_214 = arith.constant 0 : i32
    %dma_wait3A_215 = tpu.memref_slice %arg3[%dma_wait3A_213, %dma_wait3A_214] : memref<1000000x64xf32, #tpu.memory_space<hbm>> -> memref<896x64xf32, #tpu.memory_space<hbm>>
    tpu.wait_dma2 semaphore(%arg8 : memref<!tpu.dma_semaphore, #tpu.memory_space<semaphore_mem>>) src(%dma_wait3A_215 : memref<896x64xf32, #tpu.memory_space<hbm>>) dst(%dma_wait3A_212 : memref<896x64xf32, #tpu.memory_space<vmem>>)
    %add3A_216 = arith.constant 0 : i32
    %add3A_217 = arith.addi %mul3A_2, %add3A_216 : i32
    %add3A_218 = arith.constant 0 : i32
    %add3A_219 = arith.addi %add3A_217, %add3A_218 : i32
    %dma_start3A_220 = arith.constant 0 : i32
    %dma_start3A_221 = arith.constant 0 : i32
    %dma_start3A_222 = arith.constant 0 : i32
    %dma_start3A_223 = tpu.memref_slice %arg7[%dma_start3A_220, %dma_start3A_221, %dma_start3A_222] : memref<2x896x64xf32, #tpu.memory_space<vmem>> -> memref<1x200x64xf32, #tpu.memory_space<vmem>>
    %dma_start3A_224 = tpu.memref_squeeze %dma_start3A_223 : memref<1x200x64xf32, #tpu.memory_space<vmem>> -> memref<200x64xf32, #tpu.memory_space<vmem>>
    %dma_start3A_225 = arith.constant 0 : i32
    %dma_start3A_226 = arith.constant 0 : i32
    %dma_start3A_227 = tpu.memref_slice %arg4[%add3A_219, %dma_start3A_225, %dma_start3A_226] : memref<16384x200x128xf32, #tpu.memory_space<hbm>> -> memref<1x200x64xf32, #tpu.memory_space<hbm>>
    %dma_start3A_228 = tpu.memref_squeeze %dma_start3A_227 : memref<1x200x64xf32, #tpu.memory_space<hbm>> -> memref<200x64xf32, #tpu.memory_space<hbm>>
    %dma_start3A_229 = arith.constant 0 : i32
    %dma_start3A_230 = arith.constant 0 : i32
    %dma_start3A_231 = tpu.memref_slice %arg4[%add3A_219, %dma_start3A_229, %dma_start3A_230] : memref<16384x200x128xf32, #tpu.memory_space<hbm>> -> memref<1x200x64xf32, #tpu.memory_space<hbm>>
    %dma_start3A_232 = tpu.memref_squeeze %dma_start3A_231 : memref<1x200x64xf32, #tpu.memory_space<hbm>> -> memref<200x64xf32, #tpu.memory_space<hbm>>
    %dma_start3A_233 = arith.constant 0 : i32
    %dma_start3A_234 = arith.constant 0 : i32
    %dma_start3A_235 = tpu.memref_slice %arg7[%dma_start3A_220, %dma_start3A_233, %dma_start3A_234] : memref<2x896x64xf32, #tpu.memory_space<vmem>> -> memref<1x200x64xf32, #tpu.memory_space<vmem>>
    %dma_start3A_236 = tpu.memref_squeeze %dma_start3A_235 : memref<1x200x64xf32, #tpu.memory_space<vmem>> -> memref<200x64xf32, #tpu.memory_space<vmem>>
    tpu.enqueue_dma source(%dma_start3A_236 : memref<200x64xf32, #tpu.memory_space<vmem>>) target(%dma_start3A_232 : memref<200x64xf32, #tpu.memory_space<hbm>>) target_semaphore(%arg10 : memref<!tpu.dma_semaphore, #tpu.memory_space<semaphore_mem>>)
    %add3A_237 = arith.constant 0 : i32
    %add3A_238 = arith.addi %mul3A_2, %add3A_237 : i32
    %add3A_239 = arith.constant 1 : i32
    %add3A_240 = arith.addi %add3A_238, %add3A_239 : i32
    %dma_start3A_241 = arith.constant 0 : i32
    %dma_start3A_242 = arith.constant 200 : i32
    %dma_start3A_243 = arith.constant 0 : i32
    %dma_start3A_244 = tpu.memref_slice %arg7[%dma_start3A_241, %dma_start3A_242, %dma_start3A_243] : memref<2x896x64xf32, #tpu.memory_space<vmem>> -> memref<1x200x64xf32, #tpu.memory_space<vmem>>
    %dma_start3A_245 = tpu.memref_squeeze %dma_start3A_244 : memref<1x200x64xf32, #tpu.memory_space<vmem>> -> memref<200x64xf32, #tpu.memory_space<vmem>>
    %dma_start3A_246 = arith.constant 0 : i32
    %dma_start3A_247 = arith.constant 0 : i32
    %dma_start3A_248 = tpu.memref_slice %arg4[%add3A_240, %dma_start3A_246, %dma_start3A_247] : memref<16384x200x128xf32, #tpu.memory_space<hbm>> -> memref<1x200x64xf32, #tpu.memory_space<hbm>>
    %dma_start3A_249 = tpu.memref_squeeze %dma_start3A_248 : memref<1x200x64xf32, #tpu.memory_space<hbm>> -> memref<200x64xf32, #tpu.memory_space<hbm>>
    %dma_start3A_250 = arith.constant 0 : i32
    %dma_start3A_251 = arith.constant 0 : i32
    %dma_start3A_252 = tpu.memref_slice %arg4[%add3A_240, %dma_start3A_250, %dma_start3A_251] : memref<16384x200x128xf32, #tpu.memory_space<hbm>> -> memref<1x200x64xf32, #tpu.memory_space<hbm>>
    %dma_start3A_253 = tpu.memref_squeeze %dma_start3A_252 : memref<1x200x64xf32, #tpu.memory_space<hbm>> -> memref<200x64xf32, #tpu.memory_space<hbm>>
    %dma_start3A_254 = arith.constant 200 : i32
    %dma_start3A_255 = arith.constant 0 : i32
    %dma_start3A_256 = tpu.memref_slice %arg7[%dma_start3A_241, %dma_start3A_254, %dma_start3A_255] : memref<2x896x64xf32, #tpu.memory_space<vmem>> -> memref<1x200x64xf32, #tpu.memory_space<vmem>>
    %dma_start3A_257 = tpu.memref_squeeze %dma_start3A_256 : memref<1x200x64xf32, #tpu.memory_space<vmem>> -> memref<200x64xf32, #tpu.memory_space<vmem>>
    tpu.enqueue_dma source(%dma_start3A_257 : memref<200x64xf32, #tpu.memory_space<vmem>>) target(%dma_start3A_253 : memref<200x64xf32, #tpu.memory_space<hbm>>) target_semaphore(%arg10 : memref<!tpu.dma_semaphore, #tpu.memory_space<semaphore_mem>>)
    %add3A_258 = arith.constant 0 : i32
    %add3A_259 = arith.addi %mul3A_2, %add3A_258 : i32
    %add3A_260 = arith.constant 2 : i32
    %add3A_261 = arith.addi %add3A_259, %add3A_260 : i32
    %dma_start3A_262 = arith.constant 0 : i32
    %dma_start3A_263 = arith.constant 400 : i32
    %dma_start3A_264 = arith.constant 0 : i32
    %dma_start3A_265 = tpu.memref_slice %arg7[%dma_start3A_262, %dma_start3A_263, %dma_start3A_264] : memref<2x896x64xf32, #tpu.memory_space<vmem>> -> memref<1x200x64xf32, #tpu.memory_space<vmem>>
    %dma_start3A_266 = tpu.memref_squeeze %dma_start3A_265 : memref<1x200x64xf32, #tpu.memory_space<vmem>> -> memref<200x64xf32, #tpu.memory_space<vmem>>
    %dma_start3A_267 = arith.constant 0 : i32
    %dma_start3A_268 = arith.constant 0 : i32
    %dma_start3A_269 = tpu.memref_slice %arg4[%add3A_261, %dma_start3A_267, %dma_start3A_268] : memref<16384x200x128xf32, #tpu.memory_space<hbm>> -> memref<1x200x64xf32, #tpu.memory_space<hbm>>
    %dma_start3A_270 = tpu.memref_squeeze %dma_start3A_269 : memref<1x200x64xf32, #tpu.memory_space<hbm>> -> memref<200x64xf32, #tpu.memory_space<hbm>>
    %dma_start3A_271 = arith.constant 0 : i32
    %dma_start3A_272 = arith.constant 0 : i32
    %dma_start3A_273 = tpu.memref_slice %arg4[%add3A_261, %dma_start3A_271, %dma_start3A_272] : memref<16384x200x128xf32, #tpu.memory_space<hbm>> -> memref<1x200x64xf32, #tpu.memory_space<hbm>>
    %dma_start3A_274 = tpu.memref_squeeze %dma_start3A_273 : memref<1x200x64xf32, #tpu.memory_space<hbm>> -> memref<200x64xf32, #tpu.memory_space<hbm>>
    %dma_start3A_275 = arith.constant 400 : i32
    %dma_start3A_276 = arith.constant 0 : i32
    %dma_start3A_277 = tpu.memref_slice %arg7[%dma_start3A_262, %dma_start3A_275, %dma_start3A_276] : memref<2x896x64xf32, #tpu.memory_space<vmem>> -> memref<1x200x64xf32, #tpu.memory_space<vmem>>
    %dma_start3A_278 = tpu.memref_squeeze %dma_start3A_277 : memref<1x200x64xf32, #tpu.memory_space<vmem>> -> memref<200x64xf32, #tpu.memory_space<vmem>>
    tpu.enqueue_dma source(%dma_start3A_278 : memref<200x64xf32, #tpu.memory_space<vmem>>) target(%dma_start3A_274 : memref<200x64xf32, #tpu.memory_space<hbm>>) target_semaphore(%arg10 : memref<!tpu.dma_semaphore, #tpu.memory_space<semaphore_mem>>)
    %add3A_279 = arith.constant 0 : i32
    %add3A_280 = arith.addi %mul3A_2, %add3A_279 : i32
    %add3A_281 = arith.constant 3 : i32
    %add3A_282 = arith.addi %add3A_280, %add3A_281 : i32
    %dma_start3A_283 = arith.constant 0 : i32
    %dma_start3A_284 = arith.constant 600 : i32
    %dma_start3A_285 = arith.constant 0 : i32
    %dma_start3A_286 = tpu.memref_slice %arg7[%dma_start3A_283, %dma_start3A_284, %dma_start3A_285] : memref<2x896x64xf32, #tpu.memory_space<vmem>> -> memref<1x200x64xf32, #tpu.memory_space<vmem>>
    %dma_start3A_287 = tpu.memref_squeeze %dma_start3A_286 : memref<1x200x64xf32, #tpu.memory_space<vmem>> -> memref<200x64xf32, #tpu.memory_space<vmem>>
    %dma_start3A_288 = arith.constant 0 : i32
    %dma_start3A_289 = arith.constant 0 : i32
    %dma_start3A_290 = tpu.memref_slice %arg4[%add3A_282, %dma_start3A_288, %dma_start3A_289] : memref<16384x200x128xf32, #tpu.memory_space<hbm>> -> memref<1x200x64xf32, #tpu.memory_space<hbm>>
    %dma_start3A_291 = tpu.memref_squeeze %dma_start3A_290 : memref<1x200x64xf32, #tpu.memory_space<hbm>> -> memref<200x64xf32, #tpu.memory_space<hbm>>
    %dma_start3A_292 = arith.constant 0 : i32
    %dma_start3A_293 = arith.constant 0 : i32
    %dma_start3A_294 = tpu.memref_slice %arg4[%add3A_282, %dma_start3A_292, %dma_start3A_293] : memref<16384x200x128xf32, #tpu.memory_space<hbm>> -> memref<1x200x64xf32, #tpu.memory_space<hbm>>
    %dma_start3A_295 = tpu.memref_squeeze %dma_start3A_294 : memref<1x200x64xf32, #tpu.memory_space<hbm>> -> memref<200x64xf32, #tpu.memory_space<hbm>>
    %dma_start3A_296 = arith.constant 600 : i32
    %dma_start3A_297 = arith.constant 0 : i32
    %dma_start3A_298 = tpu.memref_slice %arg7[%dma_start3A_283, %dma_start3A_296, %dma_start3A_297] : memref<2x896x64xf32, #tpu.memory_space<vmem>> -> memref<1x200x64xf32, #tpu.memory_space<vmem>>
    %dma_start3A_299 = tpu.memref_squeeze %dma_start3A_298 : memref<1x200x64xf32, #tpu.memory_space<vmem>> -> memref<200x64xf32, #tpu.memory_space<vmem>>
    tpu.enqueue_dma source(%dma_start3A_299 : memref<200x64xf32, #tpu.memory_space<vmem>>) target(%dma_start3A_295 : memref<200x64xf32, #tpu.memory_space<hbm>>) target_semaphore(%arg10 : memref<!tpu.dma_semaphore, #tpu.memory_space<semaphore_mem>>)
    %mul3A_300 = arith.constant 128 : i32
    %mul3A_301 = arith.muli %add3A, %mul3A_300 : i32
    %add3A_302 = arith.constant 2 : i32
    %add3A_303 = arith.addi %mul3A_301, %add3A_302 : i32
    %mul3A_304 = arith.constant 8 : i32
    %mul3A_305 = arith.muli %add3A_303, %mul3A_304 : i32
    %dma_start3A_306 = arith.constant 0 : i32
    %dma_start3A_307 = tpu.memref_slice %arg2[%mul3A_305, %dma_start3A_306] : memref<32768x128xi32, #tpu.memory_space<hbm>> -> memref<8x128xi32, #tpu.memory_space<hbm>>
    %dma_start3A_308 = arith.constant 0 : i32
    %dma_start3A_309 = tpu.memref_slice %arg2[%mul3A_305, %dma_start3A_308] : memref<32768x128xi32, #tpu.memory_space<hbm>> -> memref<8x128xi32, #tpu.memory_space<hbm>>
    tpu.enqueue_dma source(%dma_start3A_309 : memref<8x128xi32, #tpu.memory_space<hbm>>) target(%arg5 : memref<8x128xi32, #tpu.memory_space<vmem>>) target_semaphore(%arg12 : memref<!tpu.dma_semaphore, #tpu.memory_space<semaphore_mem>>)
    %scan3A = arith.constant 0 : i32
    %scan3A_310 = arith.constant 0 : i32
    %scan3A_311 = arith.constant 62 : i32
    %scan3A_312 = arith.addi %scan3A_310, %scan3A_311 : i32
    %scan3A_313 = arith.constant 1 : i32
    scf.for %scan3A_862 = %scan3A_310 to %scan3A_312 step %scan3A_313  : i32 {
      %mul3A_863 = arith.constant 2 : i32
      %mul3A_864 = arith.muli %mul3A_863, %scan3A_862 : i32
      %add3A_865 = arith.constant 2 : i32
      %add3A_866 = arith.addi %add3A_865, %mul3A_864 : i32
      %dma_wait3A_867 = arith.constant 0 : i32
      %dma_wait3A_868 = arith.constant 0 : i32
      %dma_wait3A_869 = tpu.memref_slice %arg2[%dma_wait3A_867, %dma_wait3A_868] : memref<32768x128xi32, #tpu.memory_space<hbm>> -> memref<8x128xi32, #tpu.memory_space<hbm>>
      %dma_wait3A_870 = arith.constant 0 : i32
      %dma_wait3A_871 = arith.constant 0 : i32
      %dma_wait3A_872 = tpu.memref_slice %arg2[%dma_wait3A_870, %dma_wait3A_871] : memref<32768x128xi32, #tpu.memory_space<hbm>> -> memref<8x128xi32, #tpu.memory_space<hbm>>
      tpu.wait_dma2 semaphore(%arg12 : memref<!tpu.dma_semaphore, #tpu.memory_space<semaphore_mem>>) src(%dma_wait3A_872 : memref<8x128xi32, #tpu.memory_space<hbm>>) dst(%arg5 : memref<8x128xi32, #tpu.memory_space<vmem>>)
      %dma_wait3A_873 = arith.constant 0 : i32
      %dma_wait3A_874 = arith.constant 0 : i32
      %dma_wait3A_875 = arith.constant 0 : i32
      %dma_wait3A_876 = tpu.memref_slice %arg7[%dma_wait3A_873, %dma_wait3A_874, %dma_wait3A_875] : memref<2x896x64xf32, #tpu.memory_space<vmem>> -> memref<1x800x64xf32, #tpu.memory_space<vmem>>
      %dma_wait3A_877 = tpu.memref_squeeze %dma_wait3A_876 : memref<1x800x64xf32, #tpu.memory_space<vmem>> -> memref<800x64xf32, #tpu.memory_space<vmem>>
      %dma_wait3A_878 = arith.constant 0 : i32
      %dma_wait3A_879 = arith.constant 0 : i32
      %dma_wait3A_880 = tpu.memref_slice %arg3[%dma_wait3A_878, %dma_wait3A_879] : memref<1000000x64xf32, #tpu.memory_space<hbm>> -> memref<800x64xf32, #tpu.memory_space<hbm>>
      %dma_wait3A_881 = arith.constant 0 : i32
      %dma_wait3A_882 = arith.constant 0 : i32
      %dma_wait3A_883 = tpu.memref_slice %arg3[%dma_wait3A_881, %dma_wait3A_882] : memref<1000000x64xf32, #tpu.memory_space<hbm>> -> memref<800x64xf32, #tpu.memory_space<hbm>>
      %dma_wait3A_884 = arith.constant 0 : i32
      %dma_wait3A_885 = arith.constant 0 : i32
      %dma_wait3A_886 = tpu.memref_slice %arg7[%dma_wait3A_873, %dma_wait3A_884, %dma_wait3A_885] : memref<2x896x64xf32, #tpu.memory_space<vmem>> -> memref<1x800x64xf32, #tpu.memory_space<vmem>>
      %dma_wait3A_887 = tpu.memref_squeeze %dma_wait3A_886 : memref<1x800x64xf32, #tpu.memory_space<vmem>> -> memref<800x64xf32, #tpu.memory_space<vmem>>
      tpu.wait_dma2 semaphore(%arg10 : memref<!tpu.dma_semaphore, #tpu.memory_space<semaphore_mem>>) src(%dma_wait3A_887 : memref<800x64xf32, #tpu.memory_space<vmem>>) dst(%dma_wait3A_883 : memref<800x64xf32, #tpu.memory_space<hbm>>)
      %dma_start3A_888 = arith.constant 0 : i32
      %dma_start3A_889 = arith.constant 0 : i32
      %dma_start3A_890 = arith.constant 0 : i32
      %dma_start3A_891 = arith.constant 0 : i32
      %dma_start3A_892 = tpu.memref_slice %arg7[%dma_start3A_889, %dma_start3A_890, %dma_start3A_891] : memref<2x896x64xf32, #tpu.memory_space<vmem>> -> memref<1x128x64xf32, #tpu.memory_space<vmem>>
      %dma_start3A_893 = tpu.memref_squeeze %dma_start3A_892 : memref<1x128x64xf32, #tpu.memory_space<vmem>> -> memref<128x64xf32, #tpu.memory_space<vmem>>
      %dma_start3A_894 = arith.constant 0 : i32
      %dma_start3A_895 = tpu.memref_slice %arg5[%dma_start3A_888, %dma_start3A_894] : memref<8x128xi32, #tpu.memory_space<vmem>> -> memref<1x128xi32, #tpu.memory_space<vmem>>
      %dma_start3A_896 = tpu.memref_squeeze %dma_start3A_895 : memref<1x128xi32, #tpu.memory_space<vmem>> -> memref<128xi32, #tpu.memory_space<vmem>>
      %dma_start3A_897 = arith.constant 0 : i32
      %dma_start3A_898 = arith.constant 0 : i32
      %dma_start3A_899 = tpu.memref_slice %arg3[%dma_start3A_897, %dma_start3A_898] : memref<1000000x64xf32, #tpu.memory_space<hbm>> -> memref<1000000x64xf32, #tpu.memory_space<hbm>>
      tpu.enqueue_indirect_dma source(%dma_start3A_899 : memref<1000000x64xf32, #tpu.memory_space<hbm>>) target(%dma_start3A_893 : memref<128x64xf32, #tpu.memory_space<vmem>>) offsets(%dma_start3A_896 : memref<128xi32, #tpu.memory_space<vmem>>) semaphore(%arg8 : memref<!tpu.dma_semaphore, #tpu.memory_space<semaphore_mem>>)
      %dma_start3A_900 = arith.constant 1 : i32
      %dma_start3A_901 = arith.constant 0 : i32
      %dma_start3A_902 = arith.constant 128 : i32
      %dma_start3A_903 = arith.constant 0 : i32
      %dma_start3A_904 = tpu.memref_slice %arg7[%dma_start3A_901, %dma_start3A_902, %dma_start3A_903] : memref<2x896x64xf32, #tpu.memory_space<vmem>> -> memref<1x128x64xf32, #tpu.memory_space<vmem>>
      %dma_start3A_905 = tpu.memref_squeeze %dma_start3A_904 : memref<1x128x64xf32, #tpu.memory_space<vmem>> -> memref<128x64xf32, #tpu.memory_space<vmem>>
      %dma_start3A_906 = arith.constant 0 : i32
      %dma_start3A_907 = tpu.memref_slice %arg5[%dma_start3A_900, %dma_start3A_906] : memref<8x128xi32, #tpu.memory_space<vmem>> -> memref<1x128xi32, #tpu.memory_space<vmem>>
      %dma_start3A_908 = tpu.memref_squeeze %dma_start3A_907 : memref<1x128xi32, #tpu.memory_space<vmem>> -> memref<128xi32, #tpu.memory_space<vmem>>
      %dma_start3A_909 = arith.constant 0 : i32
      %dma_start3A_910 = arith.constant 0 : i32
      %dma_start3A_911 = tpu.memref_slice %arg3[%dma_start3A_909, %dma_start3A_910] : memref<1000000x64xf32, #tpu.memory_space<hbm>> -> memref<1000000x64xf32, #tpu.memory_space<hbm>>
      tpu.enqueue_indirect_dma source(%dma_start3A_911 : memref<1000000x64xf32, #tpu.memory_space<hbm>>) target(%dma_start3A_905 : memref<128x64xf32, #tpu.memory_space<vmem>>) offsets(%dma_start3A_908 : memref<128xi32, #tpu.memory_space<vmem>>) semaphore(%arg8 : memref<!tpu.dma_semaphore, #tpu.memory_space<semaphore_mem>>)
      %dma_start3A_912 = arith.constant 2 : i32
      %dma_start3A_913 = arith.constant 0 : i32
      %dma_start3A_914 = arith.constant 256 : i32
      %dma_start3A_915 = arith.constant 0 : i32
      %dma_start3A_916 = tpu.memref_slice %arg7[%dma_start3A_913, %dma_start3A_914, %dma_start3A_915] : memref<2x896x64xf32, #tpu.memory_space<vmem>> -> memref<1x128x64xf32, #tpu.memory_space<vmem>>
      %dma_start3A_917 = tpu.memref_squeeze %dma_start3A_916 : memref<1x128x64xf32, #tpu.memory_space<vmem>> -> memref<128x64xf32, #tpu.memory_space<vmem>>
      %dma_start3A_918 = arith.constant 0 : i32
      %dma_start3A_919 = tpu.memref_slice %arg5[%dma_start3A_912, %dma_start3A_918] : memref<8x128xi32, #tpu.memory_space<vmem>> -> memref<1x128xi32, #tpu.memory_space<vmem>>
      %dma_start3A_920 = tpu.memref_squeeze %dma_start3A_919 : memref<1x128xi32, #tpu.memory_space<vmem>> -> memref<128xi32, #tpu.memory_space<vmem>>
      %dma_start3A_921 = arith.constant 0 : i32
      %dma_start3A_922 = arith.constant 0 : i32
      %dma_start3A_923 = tpu.memref_slice %arg3[%dma_start3A_921, %dma_start3A_922] : memref<1000000x64xf32, #tpu.memory_space<hbm>> -> memref<1000000x64xf32, #tpu.memory_space<hbm>>
      tpu.enqueue_indirect_dma source(%dma_start3A_923 : memref<1000000x64xf32, #tpu.memory_space<hbm>>) target(%dma_start3A_917 : memref<128x64xf32, #tpu.memory_space<vmem>>) offsets(%dma_start3A_920 : memref<128xi32, #tpu.memory_space<vmem>>) semaphore(%arg8 : memref<!tpu.dma_semaphore, #tpu.memory_space<semaphore_mem>>)
      %dma_start3A_924 = arith.constant 3 : i32
      %dma_start3A_925 = arith.constant 0 : i32
      %dma_start3A_926 = arith.constant 384 : i32
      %dma_start3A_927 = arith.constant 0 : i32
      %dma_start3A_928 = tpu.memref_slice %arg7[%dma_start3A_925, %dma_start3A_926, %dma_start3A_927] : memref<2x896x64xf32, #tpu.memory_space<vmem>> -> memref<1x128x64xf32, #tpu.memory_space<vmem>>
      %dma_start3A_929 = tpu.memref_squeeze %dma_start3A_928 : memref<1x128x64xf32, #tpu.memory_space<vmem>> -> memref<128x64xf32, #tpu.memory_space<vmem>>
      %dma_start3A_930 = arith.constant 0 : i32
      %dma_start3A_931 = tpu.memref_slice %arg5[%dma_start3A_924, %dma_start3A_930] : memref<8x128xi32, #tpu.memory_space<vmem>> -> memref<1x128xi32, #tpu.memory_space<vmem>>
      %dma_start3A_932 = tpu.memref_squeeze %dma_start3A_931 : memref<1x128xi32, #tpu.memory_space<vmem>> -> memref<128xi32, #tpu.memory_space<vmem>>
      %dma_start3A_933 = arith.constant 0 : i32
      %dma_start3A_934 = arith.constant 0 : i32
      %dma_start3A_935 = tpu.memref_slice %arg3[%dma_start3A_933, %dma_start3A_934] : memref<1000000x64xf32, #tpu.memory_space<hbm>> -> memref<1000000x64xf32, #tpu.memory_space<hbm>>
      tpu.enqueue_indirect_dma source(%dma_start3A_935 : memref<1000000x64xf32, #tpu.memory_space<hbm>>) target(%dma_start3A_929 : memref<128x64xf32, #tpu.memory_space<vmem>>) offsets(%dma_start3A_932 : memref<128xi32, #tpu.memory_space<vmem>>) semaphore(%arg8 : memref<!tpu.dma_semaphore, #tpu.memory_space<semaphore_mem>>)
      %dma_start3A_936 = arith.constant 4 : i32
      %dma_start3A_937 = arith.constant 0 : i32
      %dma_start3A_938 = arith.constant 512 : i32
      %dma_start3A_939 = arith.constant 0 : i32
      %dma_start3A_940 = tpu.memref_slice %arg7[%dma_start3A_937, %dma_start3A_938, %dma_start3A_939] : memref<2x896x64xf32, #tpu.memory_space<vmem>> -> memref<1x128x64xf32, #tpu.memory_space<vmem>>
      %dma_start3A_941 = tpu.memref_squeeze %dma_start3A_940 : memref<1x128x64xf32, #tpu.memory_space<vmem>> -> memref<128x64xf32, #tpu.memory_space<vmem>>
      %dma_start3A_942 = arith.constant 0 : i32
      %dma_start3A_943 = tpu.memref_slice %arg5[%dma_start3A_936, %dma_start3A_942] : memref<8x128xi32, #tpu.memory_space<vmem>> -> memref<1x128xi32, #tpu.memory_space<vmem>>
      %dma_start3A_944 = tpu.memref_squeeze %dma_start3A_943 : memref<1x128xi32, #tpu.memory_space<vmem>> -> memref<128xi32, #tpu.memory_space<vmem>>
      %dma_start3A_945 = arith.constant 0 : i32
      %dma_start3A_946 = arith.constant 0 : i32
      %dma_start3A_947 = tpu.memref_slice %arg3[%dma_start3A_945, %dma_start3A_946] : memref<1000000x64xf32, #tpu.memory_space<hbm>> -> memref<1000000x64xf32, #tpu.memory_space<hbm>>
      tpu.enqueue_indirect_dma source(%dma_start3A_947 : memref<1000000x64xf32, #tpu.memory_space<hbm>>) target(%dma_start3A_941 : memref<128x64xf32, #tpu.memory_space<vmem>>) offsets(%dma_start3A_944 : memref<128xi32, #tpu.memory_space<vmem>>) semaphore(%arg8 : memref<!tpu.dma_semaphore, #tpu.memory_space<semaphore_mem>>)
      %dma_start3A_948 = arith.constant 5 : i32
      %dma_start3A_949 = arith.constant 0 : i32
      %dma_start3A_950 = arith.constant 640 : i32
      %dma_start3A_951 = arith.constant 0 : i32
      %dma_start3A_952 = tpu.memref_slice %arg7[%dma_start3A_949, %dma_start3A_950, %dma_start3A_951] : memref<2x896x64xf32, #tpu.memory_space<vmem>> -> memref<1x128x64xf32, #tpu.memory_space<vmem>>
      %dma_start3A_953 = tpu.memref_squeeze %dma_start3A_952 : memref<1x128x64xf32, #tpu.memory_space<vmem>> -> memref<128x64xf32, #tpu.memory_space<vmem>>
      %dma_start3A_954 = arith.constant 0 : i32
      %dma_start3A_955 = tpu.memref_slice %arg5[%dma_start3A_948, %dma_start3A_954] : memref<8x128xi32, #tpu.memory_space<vmem>> -> memref<1x128xi32, #tpu.memory_space<vmem>>
      %dma_start3A_956 = tpu.memref_squeeze %dma_start3A_955 : memref<1x128xi32, #tpu.memory_space<vmem>> -> memref<128xi32, #tpu.memory_space<vmem>>
      %dma_start3A_957 = arith.constant 0 : i32
      %dma_start3A_958 = arith.constant 0 : i32
      %dma_start3A_959 = tpu.memref_slice %arg3[%dma_start3A_957, %dma_start3A_958] : memref<1000000x64xf32, #tpu.memory_space<hbm>> -> memref<1000000x64xf32, #tpu.memory_space<hbm>>
      tpu.enqueue_indirect_dma source(%dma_start3A_959 : memref<1000000x64xf32, #tpu.memory_space<hbm>>) target(%dma_start3A_953 : memref<128x64xf32, #tpu.memory_space<vmem>>) offsets(%dma_start3A_956 : memref<128xi32, #tpu.memory_space<vmem>>) semaphore(%arg8 : memref<!tpu.dma_semaphore, #tpu.memory_space<semaphore_mem>>)
      %dma_start3A_960 = arith.constant 6 : i32
      %dma_start3A_961 = arith.constant 0 : i32
      %dma_start3A_962 = arith.constant 768 : i32
      %dma_start3A_963 = arith.constant 0 : i32
      %dma_start3A_964 = tpu.memref_slice %arg7[%dma_start3A_961, %dma_start3A_962, %dma_start3A_963] : memref<2x896x64xf32, #tpu.memory_space<vmem>> -> memref<1x128x64xf32, #tpu.memory_space<vmem>>
      %dma_start3A_965 = tpu.memref_squeeze %dma_start3A_964 : memref<1x128x64xf32, #tpu.memory_space<vmem>> -> memref<128x64xf32, #tpu.memory_space<vmem>>
      %dma_start3A_966 = arith.constant 0 : i32
      %dma_start3A_967 = tpu.memref_slice %arg5[%dma_start3A_960, %dma_start3A_966] : memref<8x128xi32, #tpu.memory_space<vmem>> -> memref<1x128xi32, #tpu.memory_space<vmem>>
      %dma_start3A_968 = tpu.memref_squeeze %dma_start3A_967 : memref<1x128xi32, #tpu.memory_space<vmem>> -> memref<128xi32, #tpu.memory_space<vmem>>
      %dma_start3A_969 = arith.constant 0 : i32
      %dma_start3A_970 = arith.constant 0 : i32
      %dma_start3A_971 = tpu.memref_slice %arg3[%dma_start3A_969, %dma_start3A_970] : memref<1000000x64xf32, #tpu.memory_space<hbm>> -> memref<1000000x64xf32, #tpu.memory_space<hbm>>
      tpu.enqueue_indirect_dma source(%dma_start3A_971 : memref<1000000x64xf32, #tpu.memory_space<hbm>>) target(%dma_start3A_965 : memref<128x64xf32, #tpu.memory_space<vmem>>) offsets(%dma_start3A_968 : memref<128xi32, #tpu.memory_space<vmem>>) semaphore(%arg8 : memref<!tpu.dma_semaphore, #tpu.memory_space<semaphore_mem>>)
      %dma_wait3A_972 = arith.constant 1 : i32
      %dma_wait3A_973 = arith.constant 0 : i32
      %dma_wait3A_974 = arith.constant 0 : i32
      %dma_wait3A_975 = tpu.memref_slice %arg7[%dma_wait3A_972, %dma_wait3A_973, %dma_wait3A_974] : memref<2x896x64xf32, #tpu.memory_space<vmem>> -> memref<1x896x64xf32, #tpu.memory_space<vmem>>
      %dma_wait3A_976 = tpu.memref_squeeze %dma_wait3A_975 : memref<1x896x64xf32, #tpu.memory_space<vmem>> -> memref<896x64xf32, #tpu.memory_space<vmem>>
      %dma_wait3A_977 = arith.constant 0 : i32
      %dma_wait3A_978 = arith.constant 0 : i32
      %dma_wait3A_979 = tpu.memref_slice %arg3[%dma_wait3A_977, %dma_wait3A_978] : memref<1000000x64xf32, #tpu.memory_space<hbm>> -> memref<896x64xf32, #tpu.memory_space<hbm>>
      %dma_wait3A_980 = arith.constant 0 : i32
      %dma_wait3A_981 = arith.constant 0 : i32
      %dma_wait3A_982 = tpu.memref_slice %arg7[%dma_wait3A_972, %dma_wait3A_980, %dma_wait3A_981] : memref<2x896x64xf32, #tpu.memory_space<vmem>> -> memref<1x896x64xf32, #tpu.memory_space<vmem>>
      %dma_wait3A_983 = tpu.memref_squeeze %dma_wait3A_982 : memref<1x896x64xf32, #tpu.memory_space<vmem>> -> memref<896x64xf32, #tpu.memory_space<vmem>>
      %dma_wait3A_984 = arith.constant 0 : i32
      %dma_wait3A_985 = arith.constant 0 : i32
      %dma_wait3A_986 = tpu.memref_slice %arg3[%dma_wait3A_984, %dma_wait3A_985] : memref<1000000x64xf32, #tpu.memory_space<hbm>> -> memref<896x64xf32, #tpu.memory_space<hbm>>
      tpu.wait_dma2 semaphore(%arg9 : memref<!tpu.dma_semaphore, #tpu.memory_space<semaphore_mem>>) src(%dma_wait3A_986 : memref<896x64xf32, #tpu.memory_space<hbm>>) dst(%dma_wait3A_983 : memref<896x64xf32, #tpu.memory_space<vmem>>)
      %sub3A = arith.constant 1 : i32
      %sub3A_987 = arith.subi %add3A_866, %sub3A : i32
      %mul3A_988 = arith.constant 4 : i32
      %mul3A_989 = arith.muli %sub3A_987, %mul3A_988 : i32
      %add3A_990 = arith.addi %mul3A_2, %mul3A_989 : i32
      %add3A_991 = arith.constant 0 : i32
      %add3A_992 = arith.addi %add3A_990, %add3A_991 : i32
      %dma_start3A_993 = arith.constant 1 : i32
      %dma_start3A_994 = arith.constant 0 : i32
      %dma_start3A_995 = arith.constant 0 : i32
      %dma_start3A_996 = tpu.memref_slice %arg7[%dma_start3A_993, %dma_start3A_994, %dma_start3A_995] : memref<2x896x64xf32, #tpu.memory_space<vmem>> -> memref<1x200x64xf32, #tpu.memory_space<vmem>>
      %dma_start3A_997 = tpu.memref_squeeze %dma_start3A_996 : memref<1x200x64xf32, #tpu.memory_space<vmem>> -> memref<200x64xf32, #tpu.memory_space<vmem>>
      %dma_start3A_998 = arith.constant 0 : i32
      %dma_start3A_999 = arith.constant 0 : i32
      %dma_start3A_1000 = tpu.memref_slice %arg4[%add3A_992, %dma_start3A_998, %dma_start3A_999] : memref<16384x200x128xf32, #tpu.memory_space<hbm>> -> memref<1x200x64xf32, #tpu.memory_space<hbm>>
      %dma_start3A_1001 = tpu.memref_squeeze %dma_start3A_1000 : memref<1x200x64xf32, #tpu.memory_space<hbm>> -> memref<200x64xf32, #tpu.memory_space<hbm>>
      %dma_start3A_1002 = arith.constant 0 : i32
      %dma_start3A_1003 = arith.constant 0 : i32
      %dma_start3A_1004 = tpu.memref_slice %arg4[%add3A_992, %dma_start3A_1002, %dma_start3A_1003] : memref<16384x200x128xf32, #tpu.memory_space<hbm>> -> memref<1x200x64xf32, #tpu.memory_space<hbm>>
      %dma_start3A_1005 = tpu.memref_squeeze %dma_start3A_1004 : memref<1x200x64xf32, #tpu.memory_space<hbm>> -> memref<200x64xf32, #tpu.memory_space<hbm>>
      %dma_start3A_1006 = arith.constant 0 : i32
      %dma_start3A_1007 = arith.constant 0 : i32
      %dma_start3A_1008 = tpu.memref_slice %arg7[%dma_start3A_993, %dma_start3A_1006, %dma_start3A_1007] : memref<2x896x64xf32, #tpu.memory_space<vmem>> -> memref<1x200x64xf32, #tpu.memory_space<vmem>>
      %dma_start3A_1009 = tpu.memref_squeeze %dma_start3A_1008 : memref<1x200x64xf32, #tpu.memory_space<vmem>> -> memref<200x64xf32, #tpu.memory_space<vmem>>
      tpu.enqueue_dma source(%dma_start3A_1009 : memref<200x64xf32, #tpu.memory_space<vmem>>) target(%dma_start3A_1005 : memref<200x64xf32, #tpu.memory_space<hbm>>) target_semaphore(%arg11 : memref<!tpu.dma_semaphore, #tpu.memory_space<semaphore_mem>>)
      %mul3A_1010 = arith.constant 4 : i32
      %mul3A_1011 = arith.muli %sub3A_987, %mul3A_1010 : i32
      %add3A_1012 = arith.addi %mul3A_2, %mul3A_1011 : i32
      %add3A_1013 = arith.constant 1 : i32
      %add3A_1014 = arith.addi %add3A_1012, %add3A_1013 : i32
      %dma_start3A_1015 = arith.constant 1 : i32
      %dma_start3A_1016 = arith.constant 200 : i32
      %dma_start3A_1017 = arith.constant 0 : i32
      %dma_start3A_1018 = tpu.memref_slice %arg7[%dma_start3A_1015, %dma_start3A_1016, %dma_start3A_1017] : memref<2x896x64xf32, #tpu.memory_space<vmem>> -> memref<1x200x64xf32, #tpu.memory_space<vmem>>
      %dma_start3A_1019 = tpu.memref_squeeze %dma_start3A_1018 : memref<1x200x64xf32, #tpu.memory_space<vmem>> -> memref<200x64xf32, #tpu.memory_space<vmem>>
      %dma_start3A_1020 = arith.constant 0 : i32
      %dma_start3A_1021 = arith.constant 0 : i32
      %dma_start3A_1022 = tpu.memref_slice %arg4[%add3A_1014, %dma_start3A_1020, %dma_start3A_1021] : memref<16384x200x128xf32, #tpu.memory_space<hbm>> -> memref<1x200x64xf32, #tpu.memory_space<hbm>>
      %dma_start3A_1023 = tpu.memref_squeeze %dma_start3A_1022 : memref<1x200x64xf32, #tpu.memory_space<hbm>> -> memref<200x64xf32, #tpu.memory_space<hbm>>
      %dma_start3A_1024 = arith.constant 0 : i32
      %dma_start3A_1025 = arith.constant 0 : i32
      %dma_start3A_1026 = tpu.memref_slice %arg4[%add3A_1014, %dma_start3A_1024, %dma_start3A_1025] : memref<16384x200x128xf32, #tpu.memory_space<hbm>> -> memref<1x200x64xf32, #tpu.memory_space<hbm>>
      %dma_start3A_1027 = tpu.memref_squeeze %dma_start3A_1026 : memref<1x200x64xf32, #tpu.memory_space<hbm>> -> memref<200x64xf32, #tpu.memory_space<hbm>>
      %dma_start3A_1028 = arith.constant 200 : i32
      %dma_start3A_1029 = arith.constant 0 : i32
      %dma_start3A_1030 = tpu.memref_slice %arg7[%dma_start3A_1015, %dma_start3A_1028, %dma_start3A_1029] : memref<2x896x64xf32, #tpu.memory_space<vmem>> -> memref<1x200x64xf32, #tpu.memory_space<vmem>>
      %dma_start3A_1031 = tpu.memref_squeeze %dma_start3A_1030 : memref<1x200x64xf32, #tpu.memory_space<vmem>> -> memref<200x64xf32, #tpu.memory_space<vmem>>
      tpu.enqueue_dma source(%dma_start3A_1031 : memref<200x64xf32, #tpu.memory_space<vmem>>) target(%dma_start3A_1027 : memref<200x64xf32, #tpu.memory_space<hbm>>) target_semaphore(%arg11 : memref<!tpu.dma_semaphore, #tpu.memory_space<semaphore_mem>>)
      %mul3A_1032 = arith.constant 4 : i32
      %mul3A_1033 = arith.muli %sub3A_987, %mul3A_1032 : i32
      %add3A_1034 = arith.addi %mul3A_2, %mul3A_1033 : i32
      %add3A_1035 = arith.constant 2 : i32
      %add3A_1036 = arith.addi %add3A_1034, %add3A_1035 : i32
      %dma_start3A_1037 = arith.constant 1 : i32
      %dma_start3A_1038 = arith.constant 400 : i32
      %dma_start3A_1039 = arith.constant 0 : i32
      %dma_start3A_1040 = tpu.memref_slice %arg7[%dma_start3A_1037, %dma_start3A_1038, %dma_start3A_1039] : memref<2x896x64xf32, #tpu.memory_space<vmem>> -> memref<1x200x64xf32, #tpu.memory_space<vmem>>
      %dma_start3A_1041 = tpu.memref_squeeze %dma_start3A_1040 : memref<1x200x64xf32, #tpu.memory_space<vmem>> -> memref<200x64xf32, #tpu.memory_space<vmem>>
      %dma_start3A_1042 = arith.constant 0 : i32
      %dma_start3A_1043 = arith.constant 0 : i32
      %dma_start3A_1044 = tpu.memref_slice %arg4[%add3A_1036, %dma_start3A_1042, %dma_start3A_1043] : memref<16384x200x128xf32, #tpu.memory_space<hbm>> -> memref<1x200x64xf32, #tpu.memory_space<hbm>>
      %dma_start3A_1045 = tpu.memref_squeeze %dma_start3A_1044 : memref<1x200x64xf32, #tpu.memory_space<hbm>> -> memref<200x64xf32, #tpu.memory_space<hbm>>
      %dma_start3A_1046 = arith.constant 0 : i32
      %dma_start3A_1047 = arith.constant 0 : i32
      %dma_start3A_1048 = tpu.memref_slice %arg4[%add3A_1036, %dma_start3A_1046, %dma_start3A_1047] : memref<16384x200x128xf32, #tpu.memory_space<hbm>> -> memref<1x200x64xf32, #tpu.memory_space<hbm>>
      %dma_start3A_1049 = tpu.memref_squeeze %dma_start3A_1048 : memref<1x200x64xf32, #tpu.memory_space<hbm>> -> memref<200x64xf32, #tpu.memory_space<hbm>>
      %dma_start3A_1050 = arith.constant 400 : i32
      %dma_start3A_1051 = arith.constant 0 : i32
      %dma_start3A_1052 = tpu.memref_slice %arg7[%dma_start3A_1037, %dma_start3A_1050, %dma_start3A_1051] : memref<2x896x64xf32, #tpu.memory_space<vmem>> -> memref<1x200x64xf32, #tpu.memory_space<vmem>>
      %dma_start3A_1053 = tpu.memref_squeeze %dma_start3A_1052 : memref<1x200x64xf32, #tpu.memory_space<vmem>> -> memref<200x64xf32, #tpu.memory_space<vmem>>
      tpu.enqueue_dma source(%dma_start3A_1053 : memref<200x64xf32, #tpu.memory_space<vmem>>) target(%dma_start3A_1049 : memref<200x64xf32, #tpu.memory_space<hbm>>) target_semaphore(%arg11 : memref<!tpu.dma_semaphore, #tpu.memory_space<semaphore_mem>>)
      %mul3A_1054 = arith.constant 4 : i32
      %mul3A_1055 = arith.muli %sub3A_987, %mul3A_1054 : i32
      %add3A_1056 = arith.addi %mul3A_2, %mul3A_1055 : i32
      %add3A_1057 = arith.constant 3 : i32
      %add3A_1058 = arith.addi %add3A_1056, %add3A_1057 : i32
      %dma_start3A_1059 = arith.constant 1 : i32
      %dma_start3A_1060 = arith.constant 600 : i32
      %dma_start3A_1061 = arith.constant 0 : i32
      %dma_start3A_1062 = tpu.memref_slice %arg7[%dma_start3A_1059, %dma_start3A_1060, %dma_start3A_1061] : memref<2x896x64xf32, #tpu.memory_space<vmem>> -> memref<1x200x64xf32, #tpu.memory_space<vmem>>
      %dma_start3A_1063 = tpu.memref_squeeze %dma_start3A_1062 : memref<1x200x64xf32, #tpu.memory_space<vmem>> -> memref<200x64xf32, #tpu.memory_space<vmem>>
      %dma_start3A_1064 = arith.constant 0 : i32
      %dma_start3A_1065 = arith.constant 0 : i32
      %dma_start3A_1066 = tpu.memref_slice %arg4[%add3A_1058, %dma_start3A_1064, %dma_start3A_1065] : memref<16384x200x128xf32, #tpu.memory_space<hbm>> -> memref<1x200x64xf32, #tpu.memory_space<hbm>>
      %dma_start3A_1067 = tpu.memref_squeeze %dma_start3A_1066 : memref<1x200x64xf32, #tpu.memory_space<hbm>> -> memref<200x64xf32, #tpu.memory_space<hbm>>
      %dma_start3A_1068 = arith.constant 0 : i32
      %dma_start3A_1069 = arith.constant 0 : i32
      %dma_start3A_1070 = tpu.memref_slice %arg4[%add3A_1058, %dma_start3A_1068, %dma_start3A_1069] : memref<16384x200x128xf32, #tpu.memory_space<hbm>> -> memref<1x200x64xf32, #tpu.memory_space<hbm>>
      %dma_start3A_1071 = tpu.memref_squeeze %dma_start3A_1070 : memref<1x200x64xf32, #tpu.memory_space<hbm>> -> memref<200x64xf32, #tpu.memory_space<hbm>>
      %dma_start3A_1072 = arith.constant 600 : i32
      %dma_start3A_1073 = arith.constant 0 : i32
      %dma_start3A_1074 = tpu.memref_slice %arg7[%dma_start3A_1059, %dma_start3A_1072, %dma_start3A_1073] : memref<2x896x64xf32, #tpu.memory_space<vmem>> -> memref<1x200x64xf32, #tpu.memory_space<vmem>>
      %dma_start3A_1075 = tpu.memref_squeeze %dma_start3A_1074 : memref<1x200x64xf32, #tpu.memory_space<vmem>> -> memref<200x64xf32, #tpu.memory_space<vmem>>
      tpu.enqueue_dma source(%dma_start3A_1075 : memref<200x64xf32, #tpu.memory_space<vmem>>) target(%dma_start3A_1071 : memref<200x64xf32, #tpu.memory_space<hbm>>) target_semaphore(%arg11 : memref<!tpu.dma_semaphore, #tpu.memory_space<semaphore_mem>>)
      %add3A_1076 = arith.constant 1 : i32
      %add3A_1077 = arith.addi %add3A_866, %add3A_1076 : i32
      %mul3A_1078 = arith.constant 128 : i32
      %mul3A_1079 = arith.muli %add3A, %mul3A_1078 : i32
      %add3A_1080 = arith.addi %mul3A_1079, %add3A_1077 : i32
      %mul3A_1081 = arith.constant 8 : i32
      %mul3A_1082 = arith.muli %add3A_1080, %mul3A_1081 : i32
      %dma_start3A_1083 = arith.constant 0 : i32
      %dma_start3A_1084 = tpu.memref_slice %arg2[%mul3A_1082, %dma_start3A_1083] : memref<32768x128xi32, #tpu.memory_space<hbm>> -> memref<8x128xi32, #tpu.memory_space<hbm>>
      %dma_start3A_1085 = arith.constant 0 : i32
      %dma_start3A_1086 = tpu.memref_slice %arg2[%mul3A_1082, %dma_start3A_1085] : memref<32768x128xi32, #tpu.memory_space<hbm>> -> memref<8x128xi32, #tpu.memory_space<hbm>>
      tpu.enqueue_dma source(%dma_start3A_1086 : memref<8x128xi32, #tpu.memory_space<hbm>>) target(%arg6 : memref<8x128xi32, #tpu.memory_space<vmem>>) target_semaphore(%arg13 : memref<!tpu.dma_semaphore, #tpu.memory_space<semaphore_mem>>)
      %dma_wait3A_1087 = arith.constant 0 : i32
      %dma_wait3A_1088 = arith.constant 0 : i32
      %dma_wait3A_1089 = tpu.memref_slice %arg2[%dma_wait3A_1087, %dma_wait3A_1088] : memref<32768x128xi32, #tpu.memory_space<hbm>> -> memref<8x128xi32, #tpu.memory_space<hbm>>
      %dma_wait3A_1090 = arith.constant 0 : i32
      %dma_wait3A_1091 = arith.constant 0 : i32
      %dma_wait3A_1092 = tpu.memref_slice %arg2[%dma_wait3A_1090, %dma_wait3A_1091] : memref<32768x128xi32, #tpu.memory_space<hbm>> -> memref<8x128xi32, #tpu.memory_space<hbm>>
      tpu.wait_dma2 semaphore(%arg13 : memref<!tpu.dma_semaphore, #tpu.memory_space<semaphore_mem>>) src(%dma_wait3A_1092 : memref<8x128xi32, #tpu.memory_space<hbm>>) dst(%arg6 : memref<8x128xi32, #tpu.memory_space<vmem>>)
      %dma_wait3A_1093 = arith.constant 1 : i32
      %dma_wait3A_1094 = arith.constant 0 : i32
      %dma_wait3A_1095 = arith.constant 0 : i32
      %dma_wait3A_1096 = tpu.memref_slice %arg7[%dma_wait3A_1093, %dma_wait3A_1094, %dma_wait3A_1095] : memref<2x896x64xf32, #tpu.memory_space<vmem>> -> memref<1x800x64xf32, #tpu.memory_space<vmem>>
      %dma_wait3A_1097 = tpu.memref_squeeze %dma_wait3A_1096 : memref<1x800x64xf32, #tpu.memory_space<vmem>> -> memref<800x64xf32, #tpu.memory_space<vmem>>
      %dma_wait3A_1098 = arith.constant 0 : i32
      %dma_wait3A_1099 = arith.constant 0 : i32
      %dma_wait3A_1100 = tpu.memref_slice %arg3[%dma_wait3A_1098, %dma_wait3A_1099] : memref<1000000x64xf32, #tpu.memory_space<hbm>> -> memref<800x64xf32, #tpu.memory_space<hbm>>
      %dma_wait3A_1101 = arith.constant 0 : i32
      %dma_wait3A_1102 = arith.constant 0 : i32
      %dma_wait3A_1103 = tpu.memref_slice %arg3[%dma_wait3A_1101, %dma_wait3A_1102] : memref<1000000x64xf32, #tpu.memory_space<hbm>> -> memref<800x64xf32, #tpu.memory_space<hbm>>
      %dma_wait3A_1104 = arith.constant 0 : i32
      %dma_wait3A_1105 = arith.constant 0 : i32
      %dma_wait3A_1106 = tpu.memref_slice %arg7[%dma_wait3A_1093, %dma_wait3A_1104, %dma_wait3A_1105] : memref<2x896x64xf32, #tpu.memory_space<vmem>> -> memref<1x800x64xf32, #tpu.memory_space<vmem>>
      %dma_wait3A_1107 = tpu.memref_squeeze %dma_wait3A_1106 : memref<1x800x64xf32, #tpu.memory_space<vmem>> -> memref<800x64xf32, #tpu.memory_space<vmem>>
      tpu.wait_dma2 semaphore(%arg11 : memref<!tpu.dma_semaphore, #tpu.memory_space<semaphore_mem>>) src(%dma_wait3A_1107 : memref<800x64xf32, #tpu.memory_space<vmem>>) dst(%dma_wait3A_1103 : memref<800x64xf32, #tpu.memory_space<hbm>>)
      %dma_start3A_1108 = arith.constant 0 : i32
      %dma_start3A_1109 = arith.constant 1 : i32
      %dma_start3A_1110 = arith.constant 0 : i32
      %dma_start3A_1111 = arith.constant 0 : i32
      %dma_start3A_1112 = tpu.memref_slice %arg7[%dma_start3A_1109, %dma_start3A_1110, %dma_start3A_1111] : memref<2x896x64xf32, #tpu.memory_space<vmem>> -> memref<1x128x64xf32, #tpu.memory_space<vmem>>
      %dma_start3A_1113 = tpu.memref_squeeze %dma_start3A_1112 : memref<1x128x64xf32, #tpu.memory_space<vmem>> -> memref<128x64xf32, #tpu.memory_space<vmem>>
      %dma_start3A_1114 = arith.constant 0 : i32
      %dma_start3A_1115 = tpu.memref_slice %arg6[%dma_start3A_1108, %dma_start3A_1114] : memref<8x128xi32, #tpu.memory_space<vmem>> -> memref<1x128xi32, #tpu.memory_space<vmem>>
      %dma_start3A_1116 = tpu.memref_squeeze %dma_start3A_1115 : memref<1x128xi32, #tpu.memory_space<vmem>> -> memref<128xi32, #tpu.memory_space<vmem>>
      %dma_start3A_1117 = arith.constant 0 : i32
      %dma_start3A_1118 = arith.constant 0 : i32
      %dma_start3A_1119 = tpu.memref_slice %arg3[%dma_start3A_1117, %dma_start3A_1118] : memref<1000000x64xf32, #tpu.memory_space<hbm>> -> memref<1000000x64xf32, #tpu.memory_space<hbm>>
      tpu.enqueue_indirect_dma source(%dma_start3A_1119 : memref<1000000x64xf32, #tpu.memory_space<hbm>>) target(%dma_start3A_1113 : memref<128x64xf32, #tpu.memory_space<vmem>>) offsets(%dma_start3A_1116 : memref<128xi32, #tpu.memory_space<vmem>>) semaphore(%arg9 : memref<!tpu.dma_semaphore, #tpu.memory_space<semaphore_mem>>)
      %dma_start3A_1120 = arith.constant 1 : i32
      %dma_start3A_1121 = arith.constant 1 : i32
      %dma_start3A_1122 = arith.constant 128 : i32
      %dma_start3A_1123 = arith.constant 0 : i32
      %dma_start3A_1124 = tpu.memref_slice %arg7[%dma_start3A_1121, %dma_start3A_1122, %dma_start3A_1123] : memref<2x896x64xf32, #tpu.memory_space<vmem>> -> memref<1x128x64xf32, #tpu.memory_space<vmem>>
      %dma_start3A_1125 = tpu.memref_squeeze %dma_start3A_1124 : memref<1x128x64xf32, #tpu.memory_space<vmem>> -> memref<128x64xf32, #tpu.memory_space<vmem>>
      %dma_start3A_1126 = arith.constant 0 : i32
      %dma_start3A_1127 = tpu.memref_slice %arg6[%dma_start3A_1120, %dma_start3A_1126] : memref<8x128xi32, #tpu.memory_space<vmem>> -> memref<1x128xi32, #tpu.memory_space<vmem>>
      %dma_start3A_1128 = tpu.memref_squeeze %dma_start3A_1127 : memref<1x128xi32, #tpu.memory_space<vmem>> -> memref<128xi32, #tpu.memory_space<vmem>>
      %dma_start3A_1129 = arith.constant 0 : i32
      %dma_start3A_1130 = arith.constant 0 : i32
      %dma_start3A_1131 = tpu.memref_slice %arg3[%dma_start3A_1129, %dma_start3A_1130] : memref<1000000x64xf32, #tpu.memory_space<hbm>> -> memref<1000000x64xf32, #tpu.memory_space<hbm>>
      tpu.enqueue_indirect_dma source(%dma_start3A_1131 : memref<1000000x64xf32, #tpu.memory_space<hbm>>) target(%dma_start3A_1125 : memref<128x64xf32, #tpu.memory_space<vmem>>) offsets(%dma_start3A_1128 : memref<128xi32, #tpu.memory_space<vmem>>) semaphore(%arg9 : memref<!tpu.dma_semaphore, #tpu.memory_space<semaphore_mem>>)
      %dma_start3A_1132 = arith.constant 2 : i32
      %dma_start3A_1133 = arith.constant 1 : i32
      %dma_start3A_1134 = arith.constant 256 : i32
      %dma_start3A_1135 = arith.constant 0 : i32
      %dma_start3A_1136 = tpu.memref_slice %arg7[%dma_start3A_1133, %dma_start3A_1134, %dma_start3A_1135] : memref<2x896x64xf32, #tpu.memory_space<vmem>> -> memref<1x128x64xf32, #tpu.memory_space<vmem>>
      %dma_start3A_1137 = tpu.memref_squeeze %dma_start3A_1136 : memref<1x128x64xf32, #tpu.memory_space<vmem>> -> memref<128x64xf32, #tpu.memory_space<vmem>>
      %dma_start3A_1138 = arith.constant 0 : i32
      %dma_start3A_1139 = tpu.memref_slice %arg6[%dma_start3A_1132, %dma_start3A_1138] : memref<8x128xi32, #tpu.memory_space<vmem>> -> memref<1x128xi32, #tpu.memory_space<vmem>>
      %dma_start3A_1140 = tpu.memref_squeeze %dma_start3A_1139 : memref<1x128xi32, #tpu.memory_space<vmem>> -> memref<128xi32, #tpu.memory_space<vmem>>
      %dma_start3A_1141 = arith.constant 0 : i32
      %dma_start3A_1142 = arith.constant 0 : i32
      %dma_start3A_1143 = tpu.memref_slice %arg3[%dma_start3A_1141, %dma_start3A_1142] : memref<1000000x64xf32, #tpu.memory_space<hbm>> -> memref<1000000x64xf32, #tpu.memory_space<hbm>>
      tpu.enqueue_indirect_dma source(%dma_start3A_1143 : memref<1000000x64xf32, #tpu.memory_space<hbm>>) target(%dma_start3A_1137 : memref<128x64xf32, #tpu.memory_space<vmem>>) offsets(%dma_start3A_1140 : memref<128xi32, #tpu.memory_space<vmem>>) semaphore(%arg9 : memref<!tpu.dma_semaphore, #tpu.memory_space<semaphore_mem>>)
      %dma_start3A_1144 = arith.constant 3 : i32
      %dma_start3A_1145 = arith.constant 1 : i32
      %dma_start3A_1146 = arith.constant 384 : i32
      %dma_start3A_1147 = arith.constant 0 : i32
      %dma_start3A_1148 = tpu.memref_slice %arg7[%dma_start3A_1145, %dma_start3A_1146, %dma_start3A_1147] : memref<2x896x64xf32, #tpu.memory_space<vmem>> -> memref<1x128x64xf32, #tpu.memory_space<vmem>>
      %dma_start3A_1149 = tpu.memref_squeeze %dma_start3A_1148 : memref<1x128x64xf32, #tpu.memory_space<vmem>> -> memref<128x64xf32, #tpu.memory_space<vmem>>
      %dma_start3A_1150 = arith.constant 0 : i32
      %dma_start3A_1151 = tpu.memref_slice %arg6[%dma_start3A_1144, %dma_start3A_1150] : memref<8x128xi32, #tpu.memory_space<vmem>> -> memref<1x128xi32, #tpu.memory_space<vmem>>
      %dma_start3A_1152 = tpu.memref_squeeze %dma_start3A_1151 : memref<1x128xi32, #tpu.memory_space<vmem>> -> memref<128xi32, #tpu.memory_space<vmem>>
      %dma_start3A_1153 = arith.constant 0 : i32
      %dma_start3A_1154 = arith.constant 0 : i32
      %dma_start3A_1155 = tpu.memref_slice %arg3[%dma_start3A_1153, %dma_start3A_1154] : memref<1000000x64xf32, #tpu.memory_space<hbm>> -> memref<1000000x64xf32, #tpu.memory_space<hbm>>
      tpu.enqueue_indirect_dma source(%dma_start3A_1155 : memref<1000000x64xf32, #tpu.memory_space<hbm>>) target(%dma_start3A_1149 : memref<128x64xf32, #tpu.memory_space<vmem>>) offsets(%dma_start3A_1152 : memref<128xi32, #tpu.memory_space<vmem>>) semaphore(%arg9 : memref<!tpu.dma_semaphore, #tpu.memory_space<semaphore_mem>>)
      %dma_start3A_1156 = arith.constant 4 : i32
      %dma_start3A_1157 = arith.constant 1 : i32
      %dma_start3A_1158 = arith.constant 512 : i32
      %dma_start3A_1159 = arith.constant 0 : i32
      %dma_start3A_1160 = tpu.memref_slice %arg7[%dma_start3A_1157, %dma_start3A_1158, %dma_start3A_1159] : memref<2x896x64xf32, #tpu.memory_space<vmem>> -> memref<1x128x64xf32, #tpu.memory_space<vmem>>
      %dma_start3A_1161 = tpu.memref_squeeze %dma_start3A_1160 : memref<1x128x64xf32, #tpu.memory_space<vmem>> -> memref<128x64xf32, #tpu.memory_space<vmem>>
      %dma_start3A_1162 = arith.constant 0 : i32
      %dma_start3A_1163 = tpu.memref_slice %arg6[%dma_start3A_1156, %dma_start3A_1162] : memref<8x128xi32, #tpu.memory_space<vmem>> -> memref<1x128xi32, #tpu.memory_space<vmem>>
      %dma_start3A_1164 = tpu.memref_squeeze %dma_start3A_1163 : memref<1x128xi32, #tpu.memory_space<vmem>> -> memref<128xi32, #tpu.memory_space<vmem>>
      %dma_start3A_1165 = arith.constant 0 : i32
      %dma_start3A_1166 = arith.constant 0 : i32
      %dma_start3A_1167 = tpu.memref_slice %arg3[%dma_start3A_1165, %dma_start3A_1166] : memref<1000000x64xf32, #tpu.memory_space<hbm>> -> memref<1000000x64xf32, #tpu.memory_space<hbm>>
      tpu.enqueue_indirect_dma source(%dma_start3A_1167 : memref<1000000x64xf32, #tpu.memory_space<hbm>>) target(%dma_start3A_1161 : memref<128x64xf32, #tpu.memory_space<vmem>>) offsets(%dma_start3A_1164 : memref<128xi32, #tpu.memory_space<vmem>>) semaphore(%arg9 : memref<!tpu.dma_semaphore, #tpu.memory_space<semaphore_mem>>)
      %dma_start3A_1168 = arith.constant 5 : i32
      %dma_start3A_1169 = arith.constant 1 : i32
      %dma_start3A_1170 = arith.constant 640 : i32
      %dma_start3A_1171 = arith.constant 0 : i32
      %dma_start3A_1172 = tpu.memref_slice %arg7[%dma_start3A_1169, %dma_start3A_1170, %dma_start3A_1171] : memref<2x896x64xf32, #tpu.memory_space<vmem>> -> memref<1x128x64xf32, #tpu.memory_space<vmem>>
      %dma_start3A_1173 = tpu.memref_squeeze %dma_start3A_1172 : memref<1x128x64xf32, #tpu.memory_space<vmem>> -> memref<128x64xf32, #tpu.memory_space<vmem>>
      %dma_start3A_1174 = arith.constant 0 : i32
      %dma_start3A_1175 = tpu.memref_slice %arg6[%dma_start3A_1168, %dma_start3A_1174] : memref<8x128xi32, #tpu.memory_space<vmem>> -> memref<1x128xi32, #tpu.memory_space<vmem>>
      %dma_start3A_1176 = tpu.memref_squeeze %dma_start3A_1175 : memref<1x128xi32, #tpu.memory_space<vmem>> -> memref<128xi32, #tpu.memory_space<vmem>>
      %dma_start3A_1177 = arith.constant 0 : i32
      %dma_start3A_1178 = arith.constant 0 : i32
      %dma_start3A_1179 = tpu.memref_slice %arg3[%dma_start3A_1177, %dma_start3A_1178] : memref<1000000x64xf32, #tpu.memory_space<hbm>> -> memref<1000000x64xf32, #tpu.memory_space<hbm>>
      tpu.enqueue_indirect_dma source(%dma_start3A_1179 : memref<1000000x64xf32, #tpu.memory_space<hbm>>) target(%dma_start3A_1173 : memref<128x64xf32, #tpu.memory_space<vmem>>) offsets(%dma_start3A_1176 : memref<128xi32, #tpu.memory_space<vmem>>) semaphore(%arg9 : memref<!tpu.dma_semaphore, #tpu.memory_space<semaphore_mem>>)
      %dma_start3A_1180 = arith.constant 6 : i32
      %dma_start3A_1181 = arith.constant 1 : i32
      %dma_start3A_1182 = arith.constant 768 : i32
      %dma_start3A_1183 = arith.constant 0 : i32
      %dma_start3A_1184 = tpu.memref_slice %arg7[%dma_start3A_1181, %dma_start3A_1182, %dma_start3A_1183] : memref<2x896x64xf32, #tpu.memory_space<vmem>> -> memref<1x128x64xf32, #tpu.memory_space<vmem>>
      %dma_start3A_1185 = tpu.memref_squeeze %dma_start3A_1184 : memref<1x128x64xf32, #tpu.memory_space<vmem>> -> memref<128x64xf32, #tpu.memory_space<vmem>>
      %dma_start3A_1186 = arith.constant 0 : i32
      %dma_start3A_1187 = tpu.memref_slice %arg6[%dma_start3A_1180, %dma_start3A_1186] : memref<8x128xi32, #tpu.memory_space<vmem>> -> memref<1x128xi32, #tpu.memory_space<vmem>>
      %dma_start3A_1188 = tpu.memref_squeeze %dma_start3A_1187 : memref<1x128xi32, #tpu.memory_space<vmem>> -> memref<128xi32, #tpu.memory_space<vmem>>
      %dma_start3A_1189 = arith.constant 0 : i32
      %dma_start3A_1190 = arith.constant 0 : i32
      %dma_start3A_1191 = tpu.memref_slice %arg3[%dma_start3A_1189, %dma_start3A_1190] : memref<1000000x64xf32, #tpu.memory_space<hbm>> -> memref<1000000x64xf32, #tpu.memory_space<hbm>>
      tpu.enqueue_indirect_dma source(%dma_start3A_1191 : memref<1000000x64xf32, #tpu.memory_space<hbm>>) target(%dma_start3A_1185 : memref<128x64xf32, #tpu.memory_space<vmem>>) offsets(%dma_start3A_1188 : memref<128xi32, #tpu.memory_space<vmem>>) semaphore(%arg9 : memref<!tpu.dma_semaphore, #tpu.memory_space<semaphore_mem>>)
      %dma_wait3A_1192 = arith.constant 0 : i32
      %dma_wait3A_1193 = arith.constant 0 : i32
      %dma_wait3A_1194 = arith.constant 0 : i32
      %dma_wait3A_1195 = tpu.memref_slice %arg7[%dma_wait3A_1192, %dma_wait3A_1193, %dma_wait3A_1194] : memref<2x896x64xf32, #tpu.memory_space<vmem>> -> memref<1x896x64xf32, #tpu.memory_space<vmem>>
      %dma_wait3A_1196 = tpu.memref_squeeze %dma_wait3A_1195 : memref<1x896x64xf32, #tpu.memory_space<vmem>> -> memref<896x64xf32, #tpu.memory_space<vmem>>
      %dma_wait3A_1197 = arith.constant 0 : i32
      %dma_wait3A_1198 = arith.constant 0 : i32
      %dma_wait3A_1199 = tpu.memref_slice %arg3[%dma_wait3A_1197, %dma_wait3A_1198] : memref<1000000x64xf32, #tpu.memory_space<hbm>> -> memref<896x64xf32, #tpu.memory_space<hbm>>
      %dma_wait3A_1200 = arith.constant 0 : i32
      %dma_wait3A_1201 = arith.constant 0 : i32
      %dma_wait3A_1202 = tpu.memref_slice %arg7[%dma_wait3A_1192, %dma_wait3A_1200, %dma_wait3A_1201] : memref<2x896x64xf32, #tpu.memory_space<vmem>> -> memref<1x896x64xf32, #tpu.memory_space<vmem>>
      %dma_wait3A_1203 = tpu.memref_squeeze %dma_wait3A_1202 : memref<1x896x64xf32, #tpu.memory_space<vmem>> -> memref<896x64xf32, #tpu.memory_space<vmem>>
      %dma_wait3A_1204 = arith.constant 0 : i32
      %dma_wait3A_1205 = arith.constant 0 : i32
      %dma_wait3A_1206 = tpu.memref_slice %arg3[%dma_wait3A_1204, %dma_wait3A_1205] : memref<1000000x64xf32, #tpu.memory_space<hbm>> -> memref<896x64xf32, #tpu.memory_space<hbm>>
      tpu.wait_dma2 semaphore(%arg8 : memref<!tpu.dma_semaphore, #tpu.memory_space<semaphore_mem>>) src(%dma_wait3A_1206 : memref<896x64xf32, #tpu.memory_space<hbm>>) dst(%dma_wait3A_1203 : memref<896x64xf32, #tpu.memory_space<vmem>>)
      %mul3A_1207 = arith.constant 4 : i32
      %mul3A_1208 = arith.muli %add3A_866, %mul3A_1207 : i32
      %add3A_1209 = arith.addi %mul3A_2, %mul3A_1208 : i32
      %add3A_1210 = arith.constant 0 : i32
      %add3A_1211 = arith.addi %add3A_1209, %add3A_1210 : i32
      %dma_start3A_1212 = arith.constant 0 : i32
      %dma_start3A_1213 = arith.constant 0 : i32
      %dma_start3A_1214 = arith.constant 0 : i32
      %dma_start3A_1215 = tpu.memref_slice %arg7[%dma_start3A_1212, %dma_start3A_1213, %dma_start3A_1214] : memref<2x896x64xf32, #tpu.memory_space<vmem>> -> memref<1x200x64xf32, #tpu.memory_space<vmem>>
      %dma_start3A_1216 = tpu.memref_squeeze %dma_start3A_1215 : memref<1x200x64xf32, #tpu.memory_space<vmem>> -> memref<200x64xf32, #tpu.memory_space<vmem>>
      %dma_start3A_1217 = arith.constant 0 : i32
      %dma_start3A_1218 = arith.constant 0 : i32
      %dma_start3A_1219 = tpu.memref_slice %arg4[%add3A_1211, %dma_start3A_1217, %dma_start3A_1218] : memref<16384x200x128xf32, #tpu.memory_space<hbm>> -> memref<1x200x64xf32, #tpu.memory_space<hbm>>
      %dma_start3A_1220 = tpu.memref_squeeze %dma_start3A_1219 : memref<1x200x64xf32, #tpu.memory_space<hbm>> -> memref<200x64xf32, #tpu.memory_space<hbm>>
      %dma_start3A_1221 = arith.constant 0 : i32
      %dma_start3A_1222 = arith.constant 0 : i32
      %dma_start3A_1223 = tpu.memref_slice %arg4[%add3A_1211, %dma_start3A_1221, %dma_start3A_1222] : memref<16384x200x128xf32, #tpu.memory_space<hbm>> -> memref<1x200x64xf32, #tpu.memory_space<hbm>>
      %dma_start3A_1224 = tpu.memref_squeeze %dma_start3A_1223 : memref<1x200x64xf32, #tpu.memory_space<hbm>> -> memref<200x64xf32, #tpu.memory_space<hbm>>
      %dma_start3A_1225 = arith.constant 0 : i32
      %dma_start3A_1226 = arith.constant 0 : i32
      %dma_start3A_1227 = tpu.memref_slice %arg7[%dma_start3A_1212, %dma_start3A_1225, %dma_start3A_1226] : memref<2x896x64xf32, #tpu.memory_space<vmem>> -> memref<1x200x64xf32, #tpu.memory_space<vmem>>
      %dma_start3A_1228 = tpu.memref_squeeze %dma_start3A_1227 : memref<1x200x64xf32, #tpu.memory_space<vmem>> -> memref<200x64xf32, #tpu.memory_space<vmem>>
      tpu.enqueue_dma source(%dma_start3A_1228 : memref<200x64xf32, #tpu.memory_space<vmem>>) target(%dma_start3A_1224 : memref<200x64xf32, #tpu.memory_space<hbm>>) target_semaphore(%arg10 : memref<!tpu.dma_semaphore, #tpu.memory_space<semaphore_mem>>)
      %mul3A_1229 = arith.constant 4 : i32
      %mul3A_1230 = arith.muli %add3A_866, %mul3A_1229 : i32
      %add3A_1231 = arith.addi %mul3A_2, %mul3A_1230 : i32
      %add3A_1232 = arith.constant 1 : i32
      %add3A_1233 = arith.addi %add3A_1231, %add3A_1232 : i32
      %dma_start3A_1234 = arith.constant 0 : i32
      %dma_start3A_1235 = arith.constant 200 : i32
      %dma_start3A_1236 = arith.constant 0 : i32
      %dma_start3A_1237 = tpu.memref_slice %arg7[%dma_start3A_1234, %dma_start3A_1235, %dma_start3A_1236] : memref<2x896x64xf32, #tpu.memory_space<vmem>> -> memref<1x200x64xf32, #tpu.memory_space<vmem>>
      %dma_start3A_1238 = tpu.memref_squeeze %dma_start3A_1237 : memref<1x200x64xf32, #tpu.memory_space<vmem>> -> memref<200x64xf32, #tpu.memory_space<vmem>>
      %dma_start3A_1239 = arith.constant 0 : i32
      %dma_start3A_1240 = arith.constant 0 : i32
      %dma_start3A_1241 = tpu.memref_slice %arg4[%add3A_1233, %dma_start3A_1239, %dma_start3A_1240] : memref<16384x200x128xf32, #tpu.memory_space<hbm>> -> memref<1x200x64xf32, #tpu.memory_space<hbm>>
      %dma_start3A_1242 = tpu.memref_squeeze %dma_start3A_1241 : memref<1x200x64xf32, #tpu.memory_space<hbm>> -> memref<200x64xf32, #tpu.memory_space<hbm>>
      %dma_start3A_1243 = arith.constant 0 : i32
      %dma_start3A_1244 = arith.constant 0 : i32
      %dma_start3A_1245 = tpu.memref_slice %arg4[%add3A_1233, %dma_start3A_1243, %dma_start3A_1244] : memref<16384x200x128xf32, #tpu.memory_space<hbm>> -> memref<1x200x64xf32, #tpu.memory_space<hbm>>
      %dma_start3A_1246 = tpu.memref_squeeze %dma_start3A_1245 : memref<1x200x64xf32, #tpu.memory_space<hbm>> -> memref<200x64xf32, #tpu.memory_space<hbm>>
      %dma_start3A_1247 = arith.constant 200 : i32
      %dma_start3A_1248 = arith.constant 0 : i32
      %dma_start3A_1249 = tpu.memref_slice %arg7[%dma_start3A_1234, %dma_start3A_1247, %dma_start3A_1248] : memref<2x896x64xf32, #tpu.memory_space<vmem>> -> memref<1x200x64xf32, #tpu.memory_space<vmem>>
      %dma_start3A_1250 = tpu.memref_squeeze %dma_start3A_1249 : memref<1x200x64xf32, #tpu.memory_space<vmem>> -> memref<200x64xf32, #tpu.memory_space<vmem>>
      tpu.enqueue_dma source(%dma_start3A_1250 : memref<200x64xf32, #tpu.memory_space<vmem>>) target(%dma_start3A_1246 : memref<200x64xf32, #tpu.memory_space<hbm>>) target_semaphore(%arg10 : memref<!tpu.dma_semaphore, #tpu.memory_space<semaphore_mem>>)
      %mul3A_1251 = arith.constant 4 : i32
      %mul3A_1252 = arith.muli %add3A_866, %mul3A_1251 : i32
      %add3A_1253 = arith.addi %mul3A_2, %mul3A_1252 : i32
      %add3A_1254 = arith.constant 2 : i32
      %add3A_1255 = arith.addi %add3A_1253, %add3A_1254 : i32
      %dma_start3A_1256 = arith.constant 0 : i32
      %dma_start3A_1257 = arith.constant 400 : i32
      %dma_start3A_1258 = arith.constant 0 : i32
      %dma_start3A_1259 = tpu.memref_slice %arg7[%dma_start3A_1256, %dma_start3A_1257, %dma_start3A_1258] : memref<2x896x64xf32, #tpu.memory_space<vmem>> -> memref<1x200x64xf32, #tpu.memory_space<vmem>>
      %dma_start3A_1260 = tpu.memref_squeeze %dma_start3A_1259 : memref<1x200x64xf32, #tpu.memory_space<vmem>> -> memref<200x64xf32, #tpu.memory_space<vmem>>
      %dma_start3A_1261 = arith.constant 0 : i32
      %dma_start3A_1262 = arith.constant 0 : i32
      %dma_start3A_1263 = tpu.memref_slice %arg4[%add3A_1255, %dma_start3A_1261, %dma_start3A_1262] : memref<16384x200x128xf32, #tpu.memory_space<hbm>> -> memref<1x200x64xf32, #tpu.memory_space<hbm>>
      %dma_start3A_1264 = tpu.memref_squeeze %dma_start3A_1263 : memref<1x200x64xf32, #tpu.memory_space<hbm>> -> memref<200x64xf32, #tpu.memory_space<hbm>>
      %dma_start3A_1265 = arith.constant 0 : i32
      %dma_start3A_1266 = arith.constant 0 : i32
      %dma_start3A_1267 = tpu.memref_slice %arg4[%add3A_1255, %dma_start3A_1265, %dma_start3A_1266] : memref<16384x200x128xf32, #tpu.memory_space<hbm>> -> memref<1x200x64xf32, #tpu.memory_space<hbm>>
      %dma_start3A_1268 = tpu.memref_squeeze %dma_start3A_1267 : memref<1x200x64xf32, #tpu.memory_space<hbm>> -> memref<200x64xf32, #tpu.memory_space<hbm>>
      %dma_start3A_1269 = arith.constant 400 : i32
      %dma_start3A_1270 = arith.constant 0 : i32
      %dma_start3A_1271 = tpu.memref_slice %arg7[%dma_start3A_1256, %dma_start3A_1269, %dma_start3A_1270] : memref<2x896x64xf32, #tpu.memory_space<vmem>> -> memref<1x200x64xf32, #tpu.memory_space<vmem>>
      %dma_start3A_1272 = tpu.memref_squeeze %dma_start3A_1271 : memref<1x200x64xf32, #tpu.memory_space<vmem>> -> memref<200x64xf32, #tpu.memory_space<vmem>>
      tpu.enqueue_dma source(%dma_start3A_1272 : memref<200x64xf32, #tpu.memory_space<vmem>>) target(%dma_start3A_1268 : memref<200x64xf32, #tpu.memory_space<hbm>>) target_semaphore(%arg10 : memref<!tpu.dma_semaphore, #tpu.memory_space<semaphore_mem>>)
      %mul3A_1273 = arith.constant 4 : i32
      %mul3A_1274 = arith.muli %add3A_866, %mul3A_1273 : i32
      %add3A_1275 = arith.addi %mul3A_2, %mul3A_1274 : i32
      %add3A_1276 = arith.constant 3 : i32
      %add3A_1277 = arith.addi %add3A_1275, %add3A_1276 : i32
      %dma_start3A_1278 = arith.constant 0 : i32
      %dma_start3A_1279 = arith.constant 600 : i32
      %dma_start3A_1280 = arith.constant 0 : i32
      %dma_start3A_1281 = tpu.memref_slice %arg7[%dma_start3A_1278, %dma_start3A_1279, %dma_start3A_1280] : memref<2x896x64xf32, #tpu.memory_space<vmem>> -> memref<1x200x64xf32, #tpu.memory_space<vmem>>
      %dma_start3A_1282 = tpu.memref_squeeze %dma_start3A_1281 : memref<1x200x64xf32, #tpu.memory_space<vmem>> -> memref<200x64xf32, #tpu.memory_space<vmem>>
      %dma_start3A_1283 = arith.constant 0 : i32
      %dma_start3A_1284 = arith.constant 0 : i32
      %dma_start3A_1285 = tpu.memref_slice %arg4[%add3A_1277, %dma_start3A_1283, %dma_start3A_1284] : memref<16384x200x128xf32, #tpu.memory_space<hbm>> -> memref<1x200x64xf32, #tpu.memory_space<hbm>>
      %dma_start3A_1286 = tpu.memref_squeeze %dma_start3A_1285 : memref<1x200x64xf32, #tpu.memory_space<hbm>> -> memref<200x64xf32, #tpu.memory_space<hbm>>
      %dma_start3A_1287 = arith.constant 0 : i32
      %dma_start3A_1288 = arith.constant 0 : i32
      %dma_start3A_1289 = tpu.memref_slice %arg4[%add3A_1277, %dma_start3A_1287, %dma_start3A_1288] : memref<16384x200x128xf32, #tpu.memory_space<hbm>> -> memref<1x200x64xf32, #tpu.memory_space<hbm>>
      %dma_start3A_1290 = tpu.memref_squeeze %dma_start3A_1289 : memref<1x200x64xf32, #tpu.memory_space<hbm>> -> memref<200x64xf32, #tpu.memory_space<hbm>>
      %dma_start3A_1291 = arith.constant 600 : i32
      %dma_start3A_1292 = arith.constant 0 : i32
      %dma_start3A_1293 = tpu.memref_slice %arg7[%dma_start3A_1278, %dma_start3A_1291, %dma_start3A_1292] : memref<2x896x64xf32, #tpu.memory_space<vmem>> -> memref<1x200x64xf32, #tpu.memory_space<vmem>>
      %dma_start3A_1294 = tpu.memref_squeeze %dma_start3A_1293 : memref<1x200x64xf32, #tpu.memory_space<vmem>> -> memref<200x64xf32, #tpu.memory_space<vmem>>
      tpu.enqueue_dma source(%dma_start3A_1294 : memref<200x64xf32, #tpu.memory_space<vmem>>) target(%dma_start3A_1290 : memref<200x64xf32, #tpu.memory_space<hbm>>) target_semaphore(%arg10 : memref<!tpu.dma_semaphore, #tpu.memory_space<semaphore_mem>>)
      %add3A_1295 = arith.constant 2 : i32
      %add3A_1296 = arith.addi %add3A_866, %add3A_1295 : i32
      %mul3A_1297 = arith.constant 128 : i32
      %mul3A_1298 = arith.muli %add3A, %mul3A_1297 : i32
      %add3A_1299 = arith.addi %mul3A_1298, %add3A_1296 : i32
      %mul3A_1300 = arith.constant 8 : i32
      %mul3A_1301 = arith.muli %add3A_1299, %mul3A_1300 : i32
      %dma_start3A_1302 = arith.constant 0 : i32
      %dma_start3A_1303 = tpu.memref_slice %arg2[%mul3A_1301, %dma_start3A_1302] : memref<32768x128xi32, #tpu.memory_space<hbm>> -> memref<8x128xi32, #tpu.memory_space<hbm>>
      %dma_start3A_1304 = arith.constant 0 : i32
      %dma_start3A_1305 = tpu.memref_slice %arg2[%mul3A_1301, %dma_start3A_1304] : memref<32768x128xi32, #tpu.memory_space<hbm>> -> memref<8x128xi32, #tpu.memory_space<hbm>>
      tpu.enqueue_dma source(%dma_start3A_1305 : memref<8x128xi32, #tpu.memory_space<hbm>>) target(%arg5 : memref<8x128xi32, #tpu.memory_space<vmem>>) target_semaphore(%arg12 : memref<!tpu.dma_semaphore, #tpu.memory_space<semaphore_mem>>)
    }
    %scan3A_314 = arith.constant 62 : i32
    %dma_wait3A_315 = arith.constant 0 : i32
    %dma_wait3A_316 = arith.constant 0 : i32
    %dma_wait3A_317 = tpu.memref_slice %arg2[%dma_wait3A_315, %dma_wait3A_316] : memref<32768x128xi32, #tpu.memory_space<hbm>> -> memref<8x128xi32, #tpu.memory_space<hbm>>
    %dma_wait3A_318 = arith.constant 0 : i32
    %dma_wait3A_319 = arith.constant 0 : i32
    %dma_wait3A_320 = tpu.memref_slice %arg2[%dma_wait3A_318, %dma_wait3A_319] : memref<32768x128xi32, #tpu.memory_space<hbm>> -> memref<8x128xi32, #tpu.memory_space<hbm>>
    tpu.wait_dma2 semaphore(%arg12 : memref<!tpu.dma_semaphore, #tpu.memory_space<semaphore_mem>>) src(%dma_wait3A_320 : memref<8x128xi32, #tpu.memory_space<hbm>>) dst(%arg5 : memref<8x128xi32, #tpu.memory_space<vmem>>)
    %dma_wait3A_321 = arith.constant 0 : i32
    %dma_wait3A_322 = arith.constant 0 : i32
    %dma_wait3A_323 = arith.constant 0 : i32
    %dma_wait3A_324 = tpu.memref_slice %arg7[%dma_wait3A_321, %dma_wait3A_322, %dma_wait3A_323] : memref<2x896x64xf32, #tpu.memory_space<vmem>> -> memref<1x800x64xf32, #tpu.memory_space<vmem>>
    %dma_wait3A_325 = tpu.memref_squeeze %dma_wait3A_324 : memref<1x800x64xf32, #tpu.memory_space<vmem>> -> memref<800x64xf32, #tpu.memory_space<vmem>>
    %dma_wait3A_326 = arith.constant 0 : i32
    %dma_wait3A_327 = arith.constant 0 : i32
    %dma_wait3A_328 = tpu.memref_slice %arg3[%dma_wait3A_326, %dma_wait3A_327] : memref<1000000x64xf32, #tpu.memory_space<hbm>> -> memref<800x64xf32, #tpu.memory_space<hbm>>
    %dma_wait3A_329 = arith.constant 0 : i32
    %dma_wait3A_330 = arith.constant 0 : i32
    %dma_wait3A_331 = tpu.memref_slice %arg3[%dma_wait3A_329, %dma_wait3A_330] : memref<1000000x64xf32, #tpu.memory_space<hbm>> -> memref<800x64xf32, #tpu.memory_space<hbm>>
    %dma_wait3A_332 = arith.constant 0 : i32
    %dma_wait3A_333 = arith.constant 0 : i32
    %dma_wait3A_334 = tpu.memref_slice %arg7[%dma_wait3A_321, %dma_wait3A_332, %dma_wait3A_333] : memref<2x896x64xf32, #tpu.memory_space<vmem>> -> memref<1x800x64xf32, #tpu.memory_space<vmem>>
    %dma_wait3A_335 = tpu.memref_squeeze %dma_wait3A_334 : memref<1x800x64xf32, #tpu.memory_space<vmem>> -> memref<800x64xf32, #tpu.memory_space<vmem>>
    tpu.wait_dma2 semaphore(%arg10 : memref<!tpu.dma_semaphore, #tpu.memory_space<semaphore_mem>>) src(%dma_wait3A_335 : memref<800x64xf32, #tpu.memory_space<vmem>>) dst(%dma_wait3A_331 : memref<800x64xf32, #tpu.memory_space<hbm>>)
    %dma_start3A_336 = arith.constant 0 : i32
    %dma_start3A_337 = arith.constant 0 : i32
    %dma_start3A_338 = arith.constant 0 : i32
    %dma_start3A_339 = arith.constant 0 : i32
    %dma_start3A_340 = tpu.memref_slice %arg7[%dma_start3A_337, %dma_start3A_338, %dma_start3A_339] : memref<2x896x64xf32, #tpu.memory_space<vmem>> -> memref<1x128x64xf32, #tpu.memory_space<vmem>>
    %dma_start3A_341 = tpu.memref_squeeze %dma_start3A_340 : memref<1x128x64xf32, #tpu.memory_space<vmem>> -> memref<128x64xf32, #tpu.memory_space<vmem>>
    %dma_start3A_342 = arith.constant 0 : i32
    %dma_start3A_343 = tpu.memref_slice %arg5[%dma_start3A_336, %dma_start3A_342] : memref<8x128xi32, #tpu.memory_space<vmem>> -> memref<1x128xi32, #tpu.memory_space<vmem>>
    %dma_start3A_344 = tpu.memref_squeeze %dma_start3A_343 : memref<1x128xi32, #tpu.memory_space<vmem>> -> memref<128xi32, #tpu.memory_space<vmem>>
    %dma_start3A_345 = arith.constant 0 : i32
    %dma_start3A_346 = arith.constant 0 : i32
    %dma_start3A_347 = tpu.memref_slice %arg3[%dma_start3A_345, %dma_start3A_346] : memref<1000000x64xf32, #tpu.memory_space<hbm>> -> memref<1000000x64xf32, #tpu.memory_space<hbm>>
    tpu.enqueue_indirect_dma source(%dma_start3A_347 : memref<1000000x64xf32, #tpu.memory_space<hbm>>) target(%dma_start3A_341 : memref<128x64xf32, #tpu.memory_space<vmem>>) offsets(%dma_start3A_344 : memref<128xi32, #tpu.memory_space<vmem>>) semaphore(%arg8 : memref<!tpu.dma_semaphore, #tpu.memory_space<semaphore_mem>>)
    %dma_start3A_348 = arith.constant 1 : i32
    %dma_start3A_349 = arith.constant 0 : i32
    %dma_start3A_350 = arith.constant 128 : i32
    %dma_start3A_351 = arith.constant 0 : i32
    %dma_start3A_352 = tpu.memref_slice %arg7[%dma_start3A_349, %dma_start3A_350, %dma_start3A_351] : memref<2x896x64xf32, #tpu.memory_space<vmem>> -> memref<1x128x64xf32, #tpu.memory_space<vmem>>
    %dma_start3A_353 = tpu.memref_squeeze %dma_start3A_352 : memref<1x128x64xf32, #tpu.memory_space<vmem>> -> memref<128x64xf32, #tpu.memory_space<vmem>>
    %dma_start3A_354 = arith.constant 0 : i32
    %dma_start3A_355 = tpu.memref_slice %arg5[%dma_start3A_348, %dma_start3A_354] : memref<8x128xi32, #tpu.memory_space<vmem>> -> memref<1x128xi32, #tpu.memory_space<vmem>>
    %dma_start3A_356 = tpu.memref_squeeze %dma_start3A_355 : memref<1x128xi32, #tpu.memory_space<vmem>> -> memref<128xi32, #tpu.memory_space<vmem>>
    %dma_start3A_357 = arith.constant 0 : i32
    %dma_start3A_358 = arith.constant 0 : i32
    %dma_start3A_359 = tpu.memref_slice %arg3[%dma_start3A_357, %dma_start3A_358] : memref<1000000x64xf32, #tpu.memory_space<hbm>> -> memref<1000000x64xf32, #tpu.memory_space<hbm>>
    tpu.enqueue_indirect_dma source(%dma_start3A_359 : memref<1000000x64xf32, #tpu.memory_space<hbm>>) target(%dma_start3A_353 : memref<128x64xf32, #tpu.memory_space<vmem>>) offsets(%dma_start3A_356 : memref<128xi32, #tpu.memory_space<vmem>>) semaphore(%arg8 : memref<!tpu.dma_semaphore, #tpu.memory_space<semaphore_mem>>)
    %dma_start3A_360 = arith.constant 2 : i32
    %dma_start3A_361 = arith.constant 0 : i32
    %dma_start3A_362 = arith.constant 256 : i32
    %dma_start3A_363 = arith.constant 0 : i32
    %dma_start3A_364 = tpu.memref_slice %arg7[%dma_start3A_361, %dma_start3A_362, %dma_start3A_363] : memref<2x896x64xf32, #tpu.memory_space<vmem>> -> memref<1x128x64xf32, #tpu.memory_space<vmem>>
    %dma_start3A_365 = tpu.memref_squeeze %dma_start3A_364 : memref<1x128x64xf32, #tpu.memory_space<vmem>> -> memref<128x64xf32, #tpu.memory_space<vmem>>
    %dma_start3A_366 = arith.constant 0 : i32
    %dma_start3A_367 = tpu.memref_slice %arg5[%dma_start3A_360, %dma_start3A_366] : memref<8x128xi32, #tpu.memory_space<vmem>> -> memref<1x128xi32, #tpu.memory_space<vmem>>
    %dma_start3A_368 = tpu.memref_squeeze %dma_start3A_367 : memref<1x128xi32, #tpu.memory_space<vmem>> -> memref<128xi32, #tpu.memory_space<vmem>>
    %dma_start3A_369 = arith.constant 0 : i32
    %dma_start3A_370 = arith.constant 0 : i32
    %dma_start3A_371 = tpu.memref_slice %arg3[%dma_start3A_369, %dma_start3A_370] : memref<1000000x64xf32, #tpu.memory_space<hbm>> -> memref<1000000x64xf32, #tpu.memory_space<hbm>>
    tpu.enqueue_indirect_dma source(%dma_start3A_371 : memref<1000000x64xf32, #tpu.memory_space<hbm>>) target(%dma_start3A_365 : memref<128x64xf32, #tpu.memory_space<vmem>>) offsets(%dma_start3A_368 : memref<128xi32, #tpu.memory_space<vmem>>) semaphore(%arg8 : memref<!tpu.dma_semaphore, #tpu.memory_space<semaphore_mem>>)
    %dma_start3A_372 = arith.constant 3 : i32
    %dma_start3A_373 = arith.constant 0 : i32
    %dma_start3A_374 = arith.constant 384 : i32
    %dma_start3A_375 = arith.constant 0 : i32
    %dma_start3A_376 = tpu.memref_slice %arg7[%dma_start3A_373, %dma_start3A_374, %dma_start3A_375] : memref<2x896x64xf32, #tpu.memory_space<vmem>> -> memref<1x128x64xf32, #tpu.memory_space<vmem>>
    %dma_start3A_377 = tpu.memref_squeeze %dma_start3A_376 : memref<1x128x64xf32, #tpu.memory_space<vmem>> -> memref<128x64xf32, #tpu.memory_space<vmem>>
    %dma_start3A_378 = arith.constant 0 : i32
    %dma_start3A_379 = tpu.memref_slice %arg5[%dma_start3A_372, %dma_start3A_378] : memref<8x128xi32, #tpu.memory_space<vmem>> -> memref<1x128xi32, #tpu.memory_space<vmem>>
    %dma_start3A_380 = tpu.memref_squeeze %dma_start3A_379 : memref<1x128xi32, #tpu.memory_space<vmem>> -> memref<128xi32, #tpu.memory_space<vmem>>
    %dma_start3A_381 = arith.constant 0 : i32
    %dma_start3A_382 = arith.constant 0 : i32
    %dma_start3A_383 = tpu.memref_slice %arg3[%dma_start3A_381, %dma_start3A_382] : memref<1000000x64xf32, #tpu.memory_space<hbm>> -> memref<1000000x64xf32, #tpu.memory_space<hbm>>
    tpu.enqueue_indirect_dma source(%dma_start3A_383 : memref<1000000x64xf32, #tpu.memory_space<hbm>>) target(%dma_start3A_377 : memref<128x64xf32, #tpu.memory_space<vmem>>) offsets(%dma_start3A_380 : memref<128xi32, #tpu.memory_space<vmem>>) semaphore(%arg8 : memref<!tpu.dma_semaphore, #tpu.memory_space<semaphore_mem>>)
    %dma_start3A_384 = arith.constant 4 : i32
    %dma_start3A_385 = arith.constant 0 : i32
    %dma_start3A_386 = arith.constant 512 : i32
    %dma_start3A_387 = arith.constant 0 : i32
    %dma_start3A_388 = tpu.memref_slice %arg7[%dma_start3A_385, %dma_start3A_386, %dma_start3A_387] : memref<2x896x64xf32, #tpu.memory_space<vmem>> -> memref<1x128x64xf32, #tpu.memory_space<vmem>>
    %dma_start3A_389 = tpu.memref_squeeze %dma_start3A_388 : memref<1x128x64xf32, #tpu.memory_space<vmem>> -> memref<128x64xf32, #tpu.memory_space<vmem>>
    %dma_start3A_390 = arith.constant 0 : i32
    %dma_start3A_391 = tpu.memref_slice %arg5[%dma_start3A_384, %dma_start3A_390] : memref<8x128xi32, #tpu.memory_space<vmem>> -> memref<1x128xi32, #tpu.memory_space<vmem>>
    %dma_start3A_392 = tpu.memref_squeeze %dma_start3A_391 : memref<1x128xi32, #tpu.memory_space<vmem>> -> memref<128xi32, #tpu.memory_space<vmem>>
    %dma_start3A_393 = arith.constant 0 : i32
    %dma_start3A_394 = arith.constant 0 : i32
    %dma_start3A_395 = tpu.memref_slice %arg3[%dma_start3A_393, %dma_start3A_394] : memref<1000000x64xf32, #tpu.memory_space<hbm>> -> memref<1000000x64xf32, #tpu.memory_space<hbm>>
    tpu.enqueue_indirect_dma source(%dma_start3A_395 : memref<1000000x64xf32, #tpu.memory_space<hbm>>) target(%dma_start3A_389 : memref<128x64xf32, #tpu.memory_space<vmem>>) offsets(%dma_start3A_392 : memref<128xi32, #tpu.memory_space<vmem>>) semaphore(%arg8 : memref<!tpu.dma_semaphore, #tpu.memory_space<semaphore_mem>>)
    %dma_start3A_396 = arith.constant 5 : i32
    %dma_start3A_397 = arith.constant 0 : i32
    %dma_start3A_398 = arith.constant 640 : i32
    %dma_start3A_399 = arith.constant 0 : i32
    %dma_start3A_400 = tpu.memref_slice %arg7[%dma_start3A_397, %dma_start3A_398, %dma_start3A_399] : memref<2x896x64xf32, #tpu.memory_space<vmem>> -> memref<1x128x64xf32, #tpu.memory_space<vmem>>
    %dma_start3A_401 = tpu.memref_squeeze %dma_start3A_400 : memref<1x128x64xf32, #tpu.memory_space<vmem>> -> memref<128x64xf32, #tpu.memory_space<vmem>>
    %dma_start3A_402 = arith.constant 0 : i32
    %dma_start3A_403 = tpu.memref_slice %arg5[%dma_start3A_396, %dma_start3A_402] : memref<8x128xi32, #tpu.memory_space<vmem>> -> memref<1x128xi32, #tpu.memory_space<vmem>>
    %dma_start3A_404 = tpu.memref_squeeze %dma_start3A_403 : memref<1x128xi32, #tpu.memory_space<vmem>> -> memref<128xi32, #tpu.memory_space<vmem>>
    %dma_start3A_405 = arith.constant 0 : i32
    %dma_start3A_406 = arith.constant 0 : i32
    %dma_start3A_407 = tpu.memref_slice %arg3[%dma_start3A_405, %dma_start3A_406] : memref<1000000x64xf32, #tpu.memory_space<hbm>> -> memref<1000000x64xf32, #tpu.memory_space<hbm>>
    tpu.enqueue_indirect_dma source(%dma_start3A_407 : memref<1000000x64xf32, #tpu.memory_space<hbm>>) target(%dma_start3A_401 : memref<128x64xf32, #tpu.memory_space<vmem>>) offsets(%dma_start3A_404 : memref<128xi32, #tpu.memory_space<vmem>>) semaphore(%arg8 : memref<!tpu.dma_semaphore, #tpu.memory_space<semaphore_mem>>)
    %dma_start3A_408 = arith.constant 6 : i32
    %dma_start3A_409 = arith.constant 0 : i32
    %dma_start3A_410 = arith.constant 768 : i32
    %dma_start3A_411 = arith.constant 0 : i32
    %dma_start3A_412 = tpu.memref_slice %arg7[%dma_start3A_409, %dma_start3A_410, %dma_start3A_411] : memref<2x896x64xf32, #tpu.memory_space<vmem>> -> memref<1x128x64xf32, #tpu.memory_space<vmem>>
    %dma_start3A_413 = tpu.memref_squeeze %dma_start3A_412 : memref<1x128x64xf32, #tpu.memory_space<vmem>> -> memref<128x64xf32, #tpu.memory_space<vmem>>
    %dma_start3A_414 = arith.constant 0 : i32
    %dma_start3A_415 = tpu.memref_slice %arg5[%dma_start3A_408, %dma_start3A_414] : memref<8x128xi32, #tpu.memory_space<vmem>> -> memref<1x128xi32, #tpu.memory_space<vmem>>
    %dma_start3A_416 = tpu.memref_squeeze %dma_start3A_415 : memref<1x128xi32, #tpu.memory_space<vmem>> -> memref<128xi32, #tpu.memory_space<vmem>>
    %dma_start3A_417 = arith.constant 0 : i32
    %dma_start3A_418 = arith.constant 0 : i32
    %dma_start3A_419 = tpu.memref_slice %arg3[%dma_start3A_417, %dma_start3A_418] : memref<1000000x64xf32, #tpu.memory_space<hbm>> -> memref<1000000x64xf32, #tpu.memory_space<hbm>>
    tpu.enqueue_indirect_dma source(%dma_start3A_419 : memref<1000000x64xf32, #tpu.memory_space<hbm>>) target(%dma_start3A_413 : memref<128x64xf32, #tpu.memory_space<vmem>>) offsets(%dma_start3A_416 : memref<128xi32, #tpu.memory_space<vmem>>) semaphore(%arg8 : memref<!tpu.dma_semaphore, #tpu.memory_space<semaphore_mem>>)
    %dma_wait3A_420 = arith.constant 1 : i32
    %dma_wait3A_421 = arith.constant 0 : i32
    %dma_wait3A_422 = arith.constant 0 : i32
    %dma_wait3A_423 = tpu.memref_slice %arg7[%dma_wait3A_420, %dma_wait3A_421, %dma_wait3A_422] : memref<2x896x64xf32, #tpu.memory_space<vmem>> -> memref<1x896x64xf32, #tpu.memory_space<vmem>>
    %dma_wait3A_424 = tpu.memref_squeeze %dma_wait3A_423 : memref<1x896x64xf32, #tpu.memory_space<vmem>> -> memref<896x64xf32, #tpu.memory_space<vmem>>
    %dma_wait3A_425 = arith.constant 0 : i32
    %dma_wait3A_426 = arith.constant 0 : i32
    %dma_wait3A_427 = tpu.memref_slice %arg3[%dma_wait3A_425, %dma_wait3A_426] : memref<1000000x64xf32, #tpu.memory_space<hbm>> -> memref<896x64xf32, #tpu.memory_space<hbm>>
    %dma_wait3A_428 = arith.constant 0 : i32
    %dma_wait3A_429 = arith.constant 0 : i32
    %dma_wait3A_430 = tpu.memref_slice %arg7[%dma_wait3A_420, %dma_wait3A_428, %dma_wait3A_429] : memref<2x896x64xf32, #tpu.memory_space<vmem>> -> memref<1x896x64xf32, #tpu.memory_space<vmem>>
    %dma_wait3A_431 = tpu.memref_squeeze %dma_wait3A_430 : memref<1x896x64xf32, #tpu.memory_space<vmem>> -> memref<896x64xf32, #tpu.memory_space<vmem>>
    %dma_wait3A_432 = arith.constant 0 : i32
    %dma_wait3A_433 = arith.constant 0 : i32
    %dma_wait3A_434 = tpu.memref_slice %arg3[%dma_wait3A_432, %dma_wait3A_433] : memref<1000000x64xf32, #tpu.memory_space<hbm>> -> memref<896x64xf32, #tpu.memory_space<hbm>>
    tpu.wait_dma2 semaphore(%arg9 : memref<!tpu.dma_semaphore, #tpu.memory_space<semaphore_mem>>) src(%dma_wait3A_434 : memref<896x64xf32, #tpu.memory_space<hbm>>) dst(%dma_wait3A_431 : memref<896x64xf32, #tpu.memory_space<vmem>>)
    %add3A_435 = arith.constant 500 : i32
    %add3A_436 = arith.addi %mul3A_2, %add3A_435 : i32
    %add3A_437 = arith.constant 0 : i32
    %add3A_438 = arith.addi %add3A_436, %add3A_437 : i32
    %dma_start3A_439 = arith.constant 1 : i32
    %dma_start3A_440 = arith.constant 0 : i32
    %dma_start3A_441 = arith.constant 0 : i32
    %dma_start3A_442 = tpu.memref_slice %arg7[%dma_start3A_439, %dma_start3A_440, %dma_start3A_441] : memref<2x896x64xf32, #tpu.memory_space<vmem>> -> memref<1x200x64xf32, #tpu.memory_space<vmem>>
    %dma_start3A_443 = tpu.memref_squeeze %dma_start3A_442 : memref<1x200x64xf32, #tpu.memory_space<vmem>> -> memref<200x64xf32, #tpu.memory_space<vmem>>
    %dma_start3A_444 = arith.constant 0 : i32
    %dma_start3A_445 = arith.constant 0 : i32
    %dma_start3A_446 = tpu.memref_slice %arg4[%add3A_438, %dma_start3A_444, %dma_start3A_445] : memref<16384x200x128xf32, #tpu.memory_space<hbm>> -> memref<1x200x64xf32, #tpu.memory_space<hbm>>
    %dma_start3A_447 = tpu.memref_squeeze %dma_start3A_446 : memref<1x200x64xf32, #tpu.memory_space<hbm>> -> memref<200x64xf32, #tpu.memory_space<hbm>>
    %dma_start3A_448 = arith.constant 0 : i32
    %dma_start3A_449 = arith.constant 0 : i32
    %dma_start3A_450 = tpu.memref_slice %arg4[%add3A_438, %dma_start3A_448, %dma_start3A_449] : memref<16384x200x128xf32, #tpu.memory_space<hbm>> -> memref<1x200x64xf32, #tpu.memory_space<hbm>>
    %dma_start3A_451 = tpu.memref_squeeze %dma_start3A_450 : memref<1x200x64xf32, #tpu.memory_space<hbm>> -> memref<200x64xf32, #tpu.memory_space<hbm>>
    %dma_start3A_452 = arith.constant 0 : i32
    %dma_start3A_453 = arith.constant 0 : i32
    %dma_start3A_454 = tpu.memref_slice %arg7[%dma_start3A_439, %dma_start3A_452, %dma_start3A_453] : memref<2x896x64xf32, #tpu.memory_space<vmem>> -> memref<1x200x64xf32, #tpu.memory_space<vmem>>
    %dma_start3A_455 = tpu.memref_squeeze %dma_start3A_454 : memref<1x200x64xf32, #tpu.memory_space<vmem>> -> memref<200x64xf32, #tpu.memory_space<vmem>>
    tpu.enqueue_dma source(%dma_start3A_455 : memref<200x64xf32, #tpu.memory_space<vmem>>) target(%dma_start3A_451 : memref<200x64xf32, #tpu.memory_space<hbm>>) target_semaphore(%arg11 : memref<!tpu.dma_semaphore, #tpu.memory_space<semaphore_mem>>)
    %add3A_456 = arith.constant 500 : i32
    %add3A_457 = arith.addi %mul3A_2, %add3A_456 : i32
    %add3A_458 = arith.constant 1 : i32
    %add3A_459 = arith.addi %add3A_457, %add3A_458 : i32
    %dma_start3A_460 = arith.constant 1 : i32
    %dma_start3A_461 = arith.constant 200 : i32
    %dma_start3A_462 = arith.constant 0 : i32
    %dma_start3A_463 = tpu.memref_slice %arg7[%dma_start3A_460, %dma_start3A_461, %dma_start3A_462] : memref<2x896x64xf32, #tpu.memory_space<vmem>> -> memref<1x200x64xf32, #tpu.memory_space<vmem>>
    %dma_start3A_464 = tpu.memref_squeeze %dma_start3A_463 : memref<1x200x64xf32, #tpu.memory_space<vmem>> -> memref<200x64xf32, #tpu.memory_space<vmem>>
    %dma_start3A_465 = arith.constant 0 : i32
    %dma_start3A_466 = arith.constant 0 : i32
    %dma_start3A_467 = tpu.memref_slice %arg4[%add3A_459, %dma_start3A_465, %dma_start3A_466] : memref<16384x200x128xf32, #tpu.memory_space<hbm>> -> memref<1x200x64xf32, #tpu.memory_space<hbm>>
    %dma_start3A_468 = tpu.memref_squeeze %dma_start3A_467 : memref<1x200x64xf32, #tpu.memory_space<hbm>> -> memref<200x64xf32, #tpu.memory_space<hbm>>
    %dma_start3A_469 = arith.constant 0 : i32
    %dma_start3A_470 = arith.constant 0 : i32
    %dma_start3A_471 = tpu.memref_slice %arg4[%add3A_459, %dma_start3A_469, %dma_start3A_470] : memref<16384x200x128xf32, #tpu.memory_space<hbm>> -> memref<1x200x64xf32, #tpu.memory_space<hbm>>
    %dma_start3A_472 = tpu.memref_squeeze %dma_start3A_471 : memref<1x200x64xf32, #tpu.memory_space<hbm>> -> memref<200x64xf32, #tpu.memory_space<hbm>>
    %dma_start3A_473 = arith.constant 200 : i32
    %dma_start3A_474 = arith.constant 0 : i32
    %dma_start3A_475 = tpu.memref_slice %arg7[%dma_start3A_460, %dma_start3A_473, %dma_start3A_474] : memref<2x896x64xf32, #tpu.memory_space<vmem>> -> memref<1x200x64xf32, #tpu.memory_space<vmem>>
    %dma_start3A_476 = tpu.memref_squeeze %dma_start3A_475 : memref<1x200x64xf32, #tpu.memory_space<vmem>> -> memref<200x64xf32, #tpu.memory_space<vmem>>
    tpu.enqueue_dma source(%dma_start3A_476 : memref<200x64xf32, #tpu.memory_space<vmem>>) target(%dma_start3A_472 : memref<200x64xf32, #tpu.memory_space<hbm>>) target_semaphore(%arg11 : memref<!tpu.dma_semaphore, #tpu.memory_space<semaphore_mem>>)
    %add3A_477 = arith.constant 500 : i32
    %add3A_478 = arith.addi %mul3A_2, %add3A_477 : i32
    %add3A_479 = arith.constant 2 : i32
    %add3A_480 = arith.addi %add3A_478, %add3A_479 : i32
    %dma_start3A_481 = arith.constant 1 : i32
    %dma_start3A_482 = arith.constant 400 : i32
    %dma_start3A_483 = arith.constant 0 : i32
    %dma_start3A_484 = tpu.memref_slice %arg7[%dma_start3A_481, %dma_start3A_482, %dma_start3A_483] : memref<2x896x64xf32, #tpu.memory_space<vmem>> -> memref<1x200x64xf32, #tpu.memory_space<vmem>>
    %dma_start3A_485 = tpu.memref_squeeze %dma_start3A_484 : memref<1x200x64xf32, #tpu.memory_space<vmem>> -> memref<200x64xf32, #tpu.memory_space<vmem>>
    %dma_start3A_486 = arith.constant 0 : i32
    %dma_start3A_487 = arith.constant 0 : i32
    %dma_start3A_488 = tpu.memref_slice %arg4[%add3A_480, %dma_start3A_486, %dma_start3A_487] : memref<16384x200x128xf32, #tpu.memory_space<hbm>> -> memref<1x200x64xf32, #tpu.memory_space<hbm>>
    %dma_start3A_489 = tpu.memref_squeeze %dma_start3A_488 : memref<1x200x64xf32, #tpu.memory_space<hbm>> -> memref<200x64xf32, #tpu.memory_space<hbm>>
    %dma_start3A_490 = arith.constant 0 : i32
    %dma_start3A_491 = arith.constant 0 : i32
    %dma_start3A_492 = tpu.memref_slice %arg4[%add3A_480, %dma_start3A_490, %dma_start3A_491] : memref<16384x200x128xf32, #tpu.memory_space<hbm>> -> memref<1x200x64xf32, #tpu.memory_space<hbm>>
    %dma_start3A_493 = tpu.memref_squeeze %dma_start3A_492 : memref<1x200x64xf32, #tpu.memory_space<hbm>> -> memref<200x64xf32, #tpu.memory_space<hbm>>
    %dma_start3A_494 = arith.constant 400 : i32
    %dma_start3A_495 = arith.constant 0 : i32
    %dma_start3A_496 = tpu.memref_slice %arg7[%dma_start3A_481, %dma_start3A_494, %dma_start3A_495] : memref<2x896x64xf32, #tpu.memory_space<vmem>> -> memref<1x200x64xf32, #tpu.memory_space<vmem>>
    %dma_start3A_497 = tpu.memref_squeeze %dma_start3A_496 : memref<1x200x64xf32, #tpu.memory_space<vmem>> -> memref<200x64xf32, #tpu.memory_space<vmem>>
    tpu.enqueue_dma source(%dma_start3A_497 : memref<200x64xf32, #tpu.memory_space<vmem>>) target(%dma_start3A_493 : memref<200x64xf32, #tpu.memory_space<hbm>>) target_semaphore(%arg11 : memref<!tpu.dma_semaphore, #tpu.memory_space<semaphore_mem>>)
    %add3A_498 = arith.constant 500 : i32
    %add3A_499 = arith.addi %mul3A_2, %add3A_498 : i32
    %add3A_500 = arith.constant 3 : i32
    %add3A_501 = arith.addi %add3A_499, %add3A_500 : i32
    %dma_start3A_502 = arith.constant 1 : i32
    %dma_start3A_503 = arith.constant 600 : i32
    %dma_start3A_504 = arith.constant 0 : i32
    %dma_start3A_505 = tpu.memref_slice %arg7[%dma_start3A_502, %dma_start3A_503, %dma_start3A_504] : memref<2x896x64xf32, #tpu.memory_space<vmem>> -> memref<1x200x64xf32, #tpu.memory_space<vmem>>
    %dma_start3A_506 = tpu.memref_squeeze %dma_start3A_505 : memref<1x200x64xf32, #tpu.memory_space<vmem>> -> memref<200x64xf32, #tpu.memory_space<vmem>>
    %dma_start3A_507 = arith.constant 0 : i32
    %dma_start3A_508 = arith.constant 0 : i32
    %dma_start3A_509 = tpu.memref_slice %arg4[%add3A_501, %dma_start3A_507, %dma_start3A_508] : memref<16384x200x128xf32, #tpu.memory_space<hbm>> -> memref<1x200x64xf32, #tpu.memory_space<hbm>>
    %dma_start3A_510 = tpu.memref_squeeze %dma_start3A_509 : memref<1x200x64xf32, #tpu.memory_space<hbm>> -> memref<200x64xf32, #tpu.memory_space<hbm>>
    %dma_start3A_511 = arith.constant 0 : i32
    %dma_start3A_512 = arith.constant 0 : i32
    %dma_start3A_513 = tpu.memref_slice %arg4[%add3A_501, %dma_start3A_511, %dma_start3A_512] : memref<16384x200x128xf32, #tpu.memory_space<hbm>> -> memref<1x200x64xf32, #tpu.memory_space<hbm>>
    %dma_start3A_514 = tpu.memref_squeeze %dma_start3A_513 : memref<1x200x64xf32, #tpu.memory_space<hbm>> -> memref<200x64xf32, #tpu.memory_space<hbm>>
    %dma_start3A_515 = arith.constant 600 : i32
    %dma_start3A_516 = arith.constant 0 : i32
    %dma_start3A_517 = tpu.memref_slice %arg7[%dma_start3A_502, %dma_start3A_515, %dma_start3A_516] : memref<2x896x64xf32, #tpu.memory_space<vmem>> -> memref<1x200x64xf32, #tpu.memory_space<vmem>>
    %dma_start3A_518 = tpu.memref_squeeze %dma_start3A_517 : memref<1x200x64xf32, #tpu.memory_space<vmem>> -> memref<200x64xf32, #tpu.memory_space<vmem>>
    tpu.enqueue_dma source(%dma_start3A_518 : memref<200x64xf32, #tpu.memory_space<vmem>>) target(%dma_start3A_514 : memref<200x64xf32, #tpu.memory_space<hbm>>) target_semaphore(%arg11 : memref<!tpu.dma_semaphore, #tpu.memory_space<semaphore_mem>>)
    %mul3A_519 = arith.constant 128 : i32
    %mul3A_520 = arith.muli %add3A, %mul3A_519 : i32
    %add3A_521 = arith.constant 127 : i32
    %add3A_522 = arith.addi %mul3A_520, %add3A_521 : i32
    %mul3A_523 = arith.constant 8 : i32
    %mul3A_524 = arith.muli %add3A_522, %mul3A_523 : i32
    %dma_start3A_525 = arith.constant 0 : i32
    %dma_start3A_526 = tpu.memref_slice %arg2[%mul3A_524, %dma_start3A_525] : memref<32768x128xi32, #tpu.memory_space<hbm>> -> memref<8x128xi32, #tpu.memory_space<hbm>>
    %dma_start3A_527 = arith.constant 0 : i32
    %dma_start3A_528 = tpu.memref_slice %arg2[%mul3A_524, %dma_start3A_527] : memref<32768x128xi32, #tpu.memory_space<hbm>> -> memref<8x128xi32, #tpu.memory_space<hbm>>
    tpu.enqueue_dma source(%dma_start3A_528 : memref<8x128xi32, #tpu.memory_space<hbm>>) target(%arg6 : memref<8x128xi32, #tpu.memory_space<vmem>>) target_semaphore(%arg13 : memref<!tpu.dma_semaphore, #tpu.memory_space<semaphore_mem>>)
    %dma_wait3A_529 = arith.constant 0 : i32
    %dma_wait3A_530 = arith.constant 0 : i32
    %dma_wait3A_531 = tpu.memref_slice %arg2[%dma_wait3A_529, %dma_wait3A_530] : memref<32768x128xi32, #tpu.memory_space<hbm>> -> memref<8x128xi32, #tpu.memory_space<hbm>>
    %dma_wait3A_532 = arith.constant 0 : i32
    %dma_wait3A_533 = arith.constant 0 : i32
    %dma_wait3A_534 = tpu.memref_slice %arg2[%dma_wait3A_532, %dma_wait3A_533] : memref<32768x128xi32, #tpu.memory_space<hbm>> -> memref<8x128xi32, #tpu.memory_space<hbm>>
    tpu.wait_dma2 semaphore(%arg13 : memref<!tpu.dma_semaphore, #tpu.memory_space<semaphore_mem>>) src(%dma_wait3A_534 : memref<8x128xi32, #tpu.memory_space<hbm>>) dst(%arg6 : memref<8x128xi32, #tpu.memory_space<vmem>>)
    %dma_wait3A_535 = arith.constant 1 : i32
    %dma_wait3A_536 = arith.constant 0 : i32
    %dma_wait3A_537 = arith.constant 0 : i32
    %dma_wait3A_538 = tpu.memref_slice %arg7[%dma_wait3A_535, %dma_wait3A_536, %dma_wait3A_537] : memref<2x896x64xf32, #tpu.memory_space<vmem>> -> memref<1x800x64xf32, #tpu.memory_space<vmem>>
    %dma_wait3A_539 = tpu.memref_squeeze %dma_wait3A_538 : memref<1x800x64xf32, #tpu.memory_space<vmem>> -> memref<800x64xf32, #tpu.memory_space<vmem>>
    %dma_wait3A_540 = arith.constant 0 : i32
    %dma_wait3A_541 = arith.constant 0 : i32
    %dma_wait3A_542 = tpu.memref_slice %arg3[%dma_wait3A_540, %dma_wait3A_541] : memref<1000000x64xf32, #tpu.memory_space<hbm>> -> memref<800x64xf32, #tpu.memory_space<hbm>>
    %dma_wait3A_543 = arith.constant 0 : i32
    %dma_wait3A_544 = arith.constant 0 : i32
    %dma_wait3A_545 = tpu.memref_slice %arg3[%dma_wait3A_543, %dma_wait3A_544] : memref<1000000x64xf32, #tpu.memory_space<hbm>> -> memref<800x64xf32, #tpu.memory_space<hbm>>
    %dma_wait3A_546 = arith.constant 0 : i32
    %dma_wait3A_547 = arith.constant 0 : i32
    %dma_wait3A_548 = tpu.memref_slice %arg7[%dma_wait3A_535, %dma_wait3A_546, %dma_wait3A_547] : memref<2x896x64xf32, #tpu.memory_space<vmem>> -> memref<1x800x64xf32, #tpu.memory_space<vmem>>
    %dma_wait3A_549 = tpu.memref_squeeze %dma_wait3A_548 : memref<1x800x64xf32, #tpu.memory_space<vmem>> -> memref<800x64xf32, #tpu.memory_space<vmem>>
    tpu.wait_dma2 semaphore(%arg11 : memref<!tpu.dma_semaphore, #tpu.memory_space<semaphore_mem>>) src(%dma_wait3A_549 : memref<800x64xf32, #tpu.memory_space<vmem>>) dst(%dma_wait3A_545 : memref<800x64xf32, #tpu.memory_space<hbm>>)
    %dma_start3A_550 = arith.constant 0 : i32
    %dma_start3A_551 = arith.constant 1 : i32
    %dma_start3A_552 = arith.constant 0 : i32
    %dma_start3A_553 = arith.constant 0 : i32
    %dma_start3A_554 = tpu.memref_slice %arg7[%dma_start3A_551, %dma_start3A_552, %dma_start3A_553] : memref<2x896x64xf32, #tpu.memory_space<vmem>> -> memref<1x128x64xf32, #tpu.memory_space<vmem>>
    %dma_start3A_555 = tpu.memref_squeeze %dma_start3A_554 : memref<1x128x64xf32, #tpu.memory_space<vmem>> -> memref<128x64xf32, #tpu.memory_space<vmem>>
    %dma_start3A_556 = arith.constant 0 : i32
    %dma_start3A_557 = tpu.memref_slice %arg6[%dma_start3A_550, %dma_start3A_556] : memref<8x128xi32, #tpu.memory_space<vmem>> -> memref<1x128xi32, #tpu.memory_space<vmem>>
    %dma_start3A_558 = tpu.memref_squeeze %dma_start3A_557 : memref<1x128xi32, #tpu.memory_space<vmem>> -> memref<128xi32, #tpu.memory_space<vmem>>
    %dma_start3A_559 = arith.constant 0 : i32
    %dma_start3A_560 = arith.constant 0 : i32
    %dma_start3A_561 = tpu.memref_slice %arg3[%dma_start3A_559, %dma_start3A_560] : memref<1000000x64xf32, #tpu.memory_space<hbm>> -> memref<1000000x64xf32, #tpu.memory_space<hbm>>
    tpu.enqueue_indirect_dma source(%dma_start3A_561 : memref<1000000x64xf32, #tpu.memory_space<hbm>>) target(%dma_start3A_555 : memref<128x64xf32, #tpu.memory_space<vmem>>) offsets(%dma_start3A_558 : memref<128xi32, #tpu.memory_space<vmem>>) semaphore(%arg9 : memref<!tpu.dma_semaphore, #tpu.memory_space<semaphore_mem>>)
    %dma_start3A_562 = arith.constant 1 : i32
    %dma_start3A_563 = arith.constant 1 : i32
    %dma_start3A_564 = arith.constant 128 : i32
    %dma_start3A_565 = arith.constant 0 : i32
    %dma_start3A_566 = tpu.memref_slice %arg7[%dma_start3A_563, %dma_start3A_564, %dma_start3A_565] : memref<2x896x64xf32, #tpu.memory_space<vmem>> -> memref<1x128x64xf32, #tpu.memory_space<vmem>>
    %dma_start3A_567 = tpu.memref_squeeze %dma_start3A_566 : memref<1x128x64xf32, #tpu.memory_space<vmem>> -> memref<128x64xf32, #tpu.memory_space<vmem>>
    %dma_start3A_568 = arith.constant 0 : i32
    %dma_start3A_569 = tpu.memref_slice %arg6[%dma_start3A_562, %dma_start3A_568] : memref<8x128xi32, #tpu.memory_space<vmem>> -> memref<1x128xi32, #tpu.memory_space<vmem>>
    %dma_start3A_570 = tpu.memref_squeeze %dma_start3A_569 : memref<1x128xi32, #tpu.memory_space<vmem>> -> memref<128xi32, #tpu.memory_space<vmem>>
    %dma_start3A_571 = arith.constant 0 : i32
    %dma_start3A_572 = arith.constant 0 : i32
    %dma_start3A_573 = tpu.memref_slice %arg3[%dma_start3A_571, %dma_start3A_572] : memref<1000000x64xf32, #tpu.memory_space<hbm>> -> memref<1000000x64xf32, #tpu.memory_space<hbm>>
    tpu.enqueue_indirect_dma source(%dma_start3A_573 : memref<1000000x64xf32, #tpu.memory_space<hbm>>) target(%dma_start3A_567 : memref<128x64xf32, #tpu.memory_space<vmem>>) offsets(%dma_start3A_570 : memref<128xi32, #tpu.memory_space<vmem>>) semaphore(%arg9 : memref<!tpu.dma_semaphore, #tpu.memory_space<semaphore_mem>>)
    %dma_start3A_574 = arith.constant 2 : i32
    %dma_start3A_575 = arith.constant 1 : i32
    %dma_start3A_576 = arith.constant 256 : i32
    %dma_start3A_577 = arith.constant 0 : i32
    %dma_start3A_578 = tpu.memref_slice %arg7[%dma_start3A_575, %dma_start3A_576, %dma_start3A_577] : memref<2x896x64xf32, #tpu.memory_space<vmem>> -> memref<1x128x64xf32, #tpu.memory_space<vmem>>
    %dma_start3A_579 = tpu.memref_squeeze %dma_start3A_578 : memref<1x128x64xf32, #tpu.memory_space<vmem>> -> memref<128x64xf32, #tpu.memory_space<vmem>>
    %dma_start3A_580 = arith.constant 0 : i32
    %dma_start3A_581 = tpu.memref_slice %arg6[%dma_start3A_574, %dma_start3A_580] : memref<8x128xi32, #tpu.memory_space<vmem>> -> memref<1x128xi32, #tpu.memory_space<vmem>>
    %dma_start3A_582 = tpu.memref_squeeze %dma_start3A_581 : memref<1x128xi32, #tpu.memory_space<vmem>> -> memref<128xi32, #tpu.memory_space<vmem>>
    %dma_start3A_583 = arith.constant 0 : i32
    %dma_start3A_584 = arith.constant 0 : i32
    %dma_start3A_585 = tpu.memref_slice %arg3[%dma_start3A_583, %dma_start3A_584] : memref<1000000x64xf32, #tpu.memory_space<hbm>> -> memref<1000000x64xf32, #tpu.memory_space<hbm>>
    tpu.enqueue_indirect_dma source(%dma_start3A_585 : memref<1000000x64xf32, #tpu.memory_space<hbm>>) target(%dma_start3A_579 : memref<128x64xf32, #tpu.memory_space<vmem>>) offsets(%dma_start3A_582 : memref<128xi32, #tpu.memory_space<vmem>>) semaphore(%arg9 : memref<!tpu.dma_semaphore, #tpu.memory_space<semaphore_mem>>)
    %dma_start3A_586 = arith.constant 3 : i32
    %dma_start3A_587 = arith.constant 1 : i32
    %dma_start3A_588 = arith.constant 384 : i32
    %dma_start3A_589 = arith.constant 0 : i32
    %dma_start3A_590 = tpu.memref_slice %arg7[%dma_start3A_587, %dma_start3A_588, %dma_start3A_589] : memref<2x896x64xf32, #tpu.memory_space<vmem>> -> memref<1x128x64xf32, #tpu.memory_space<vmem>>
    %dma_start3A_591 = tpu.memref_squeeze %dma_start3A_590 : memref<1x128x64xf32, #tpu.memory_space<vmem>> -> memref<128x64xf32, #tpu.memory_space<vmem>>
    %dma_start3A_592 = arith.constant 0 : i32
    %dma_start3A_593 = tpu.memref_slice %arg6[%dma_start3A_586, %dma_start3A_592] : memref<8x128xi32, #tpu.memory_space<vmem>> -> memref<1x128xi32, #tpu.memory_space<vmem>>
    %dma_start3A_594 = tpu.memref_squeeze %dma_start3A_593 : memref<1x128xi32, #tpu.memory_space<vmem>> -> memref<128xi32, #tpu.memory_space<vmem>>
    %dma_start3A_595 = arith.constant 0 : i32
    %dma_start3A_596 = arith.constant 0 : i32
    %dma_start3A_597 = tpu.memref_slice %arg3[%dma_start3A_595, %dma_start3A_596] : memref<1000000x64xf32, #tpu.memory_space<hbm>> -> memref<1000000x64xf32, #tpu.memory_space<hbm>>
    tpu.enqueue_indirect_dma source(%dma_start3A_597 : memref<1000000x64xf32, #tpu.memory_space<hbm>>) target(%dma_start3A_591 : memref<128x64xf32, #tpu.memory_space<vmem>>) offsets(%dma_start3A_594 : memref<128xi32, #tpu.memory_space<vmem>>) semaphore(%arg9 : memref<!tpu.dma_semaphore, #tpu.memory_space<semaphore_mem>>)
    %dma_start3A_598 = arith.constant 4 : i32
    %dma_start3A_599 = arith.constant 1 : i32
    %dma_start3A_600 = arith.constant 512 : i32
    %dma_start3A_601 = arith.constant 0 : i32
    %dma_start3A_602 = tpu.memref_slice %arg7[%dma_start3A_599, %dma_start3A_600, %dma_start3A_601] : memref<2x896x64xf32, #tpu.memory_space<vmem>> -> memref<1x128x64xf32, #tpu.memory_space<vmem>>
    %dma_start3A_603 = tpu.memref_squeeze %dma_start3A_602 : memref<1x128x64xf32, #tpu.memory_space<vmem>> -> memref<128x64xf32, #tpu.memory_space<vmem>>
    %dma_start3A_604 = arith.constant 0 : i32
    %dma_start3A_605 = tpu.memref_slice %arg6[%dma_start3A_598, %dma_start3A_604] : memref<8x128xi32, #tpu.memory_space<vmem>> -> memref<1x128xi32, #tpu.memory_space<vmem>>
    %dma_start3A_606 = tpu.memref_squeeze %dma_start3A_605 : memref<1x128xi32, #tpu.memory_space<vmem>> -> memref<128xi32, #tpu.memory_space<vmem>>
    %dma_start3A_607 = arith.constant 0 : i32
    %dma_start3A_608 = arith.constant 0 : i32
    %dma_start3A_609 = tpu.memref_slice %arg3[%dma_start3A_607, %dma_start3A_608] : memref<1000000x64xf32, #tpu.memory_space<hbm>> -> memref<1000000x64xf32, #tpu.memory_space<hbm>>
    tpu.enqueue_indirect_dma source(%dma_start3A_609 : memref<1000000x64xf32, #tpu.memory_space<hbm>>) target(%dma_start3A_603 : memref<128x64xf32, #tpu.memory_space<vmem>>) offsets(%dma_start3A_606 : memref<128xi32, #tpu.memory_space<vmem>>) semaphore(%arg9 : memref<!tpu.dma_semaphore, #tpu.memory_space<semaphore_mem>>)
    %dma_start3A_610 = arith.constant 5 : i32
    %dma_start3A_611 = arith.constant 1 : i32
    %dma_start3A_612 = arith.constant 640 : i32
    %dma_start3A_613 = arith.constant 0 : i32
    %dma_start3A_614 = tpu.memref_slice %arg7[%dma_start3A_611, %dma_start3A_612, %dma_start3A_613] : memref<2x896x64xf32, #tpu.memory_space<vmem>> -> memref<1x128x64xf32, #tpu.memory_space<vmem>>
    %dma_start3A_615 = tpu.memref_squeeze %dma_start3A_614 : memref<1x128x64xf32, #tpu.memory_space<vmem>> -> memref<128x64xf32, #tpu.memory_space<vmem>>
    %dma_start3A_616 = arith.constant 0 : i32
    %dma_start3A_617 = tpu.memref_slice %arg6[%dma_start3A_610, %dma_start3A_616] : memref<8x128xi32, #tpu.memory_space<vmem>> -> memref<1x128xi32, #tpu.memory_space<vmem>>
    %dma_start3A_618 = tpu.memref_squeeze %dma_start3A_617 : memref<1x128xi32, #tpu.memory_space<vmem>> -> memref<128xi32, #tpu.memory_space<vmem>>
    %dma_start3A_619 = arith.constant 0 : i32
    %dma_start3A_620 = arith.constant 0 : i32
    %dma_start3A_621 = tpu.memref_slice %arg3[%dma_start3A_619, %dma_start3A_620] : memref<1000000x64xf32, #tpu.memory_space<hbm>> -> memref<1000000x64xf32, #tpu.memory_space<hbm>>
    tpu.enqueue_indirect_dma source(%dma_start3A_621 : memref<1000000x64xf32, #tpu.memory_space<hbm>>) target(%dma_start3A_615 : memref<128x64xf32, #tpu.memory_space<vmem>>) offsets(%dma_start3A_618 : memref<128xi32, #tpu.memory_space<vmem>>) semaphore(%arg9 : memref<!tpu.dma_semaphore, #tpu.memory_space<semaphore_mem>>)
    %dma_start3A_622 = arith.constant 6 : i32
    %dma_start3A_623 = arith.constant 1 : i32
    %dma_start3A_624 = arith.constant 768 : i32
    %dma_start3A_625 = arith.constant 0 : i32
    %dma_start3A_626 = tpu.memref_slice %arg7[%dma_start3A_623, %dma_start3A_624, %dma_start3A_625] : memref<2x896x64xf32, #tpu.memory_space<vmem>> -> memref<1x128x64xf32, #tpu.memory_space<vmem>>
    %dma_start3A_627 = tpu.memref_squeeze %dma_start3A_626 : memref<1x128x64xf32, #tpu.memory_space<vmem>> -> memref<128x64xf32, #tpu.memory_space<vmem>>
    %dma_start3A_628 = arith.constant 0 : i32
    %dma_start3A_629 = tpu.memref_slice %arg6[%dma_start3A_622, %dma_start3A_628] : memref<8x128xi32, #tpu.memory_space<vmem>> -> memref<1x128xi32, #tpu.memory_space<vmem>>
    %dma_start3A_630 = tpu.memref_squeeze %dma_start3A_629 : memref<1x128xi32, #tpu.memory_space<vmem>> -> memref<128xi32, #tpu.memory_space<vmem>>
    %dma_start3A_631 = arith.constant 0 : i32
    %dma_start3A_632 = arith.constant 0 : i32
    %dma_start3A_633 = tpu.memref_slice %arg3[%dma_start3A_631, %dma_start3A_632] : memref<1000000x64xf32, #tpu.memory_space<hbm>> -> memref<1000000x64xf32, #tpu.memory_space<hbm>>
    tpu.enqueue_indirect_dma source(%dma_start3A_633 : memref<1000000x64xf32, #tpu.memory_space<hbm>>) target(%dma_start3A_627 : memref<128x64xf32, #tpu.memory_space<vmem>>) offsets(%dma_start3A_630 : memref<128xi32, #tpu.memory_space<vmem>>) semaphore(%arg9 : memref<!tpu.dma_semaphore, #tpu.memory_space<semaphore_mem>>)
    %dma_wait3A_634 = arith.constant 0 : i32
    %dma_wait3A_635 = arith.constant 0 : i32
    %dma_wait3A_636 = arith.constant 0 : i32
    %dma_wait3A_637 = tpu.memref_slice %arg7[%dma_wait3A_634, %dma_wait3A_635, %dma_wait3A_636] : memref<2x896x64xf32, #tpu.memory_space<vmem>> -> memref<1x896x64xf32, #tpu.memory_space<vmem>>
    %dma_wait3A_638 = tpu.memref_squeeze %dma_wait3A_637 : memref<1x896x64xf32, #tpu.memory_space<vmem>> -> memref<896x64xf32, #tpu.memory_space<vmem>>
    %dma_wait3A_639 = arith.constant 0 : i32
    %dma_wait3A_640 = arith.constant 0 : i32
    %dma_wait3A_641 = tpu.memref_slice %arg3[%dma_wait3A_639, %dma_wait3A_640] : memref<1000000x64xf32, #tpu.memory_space<hbm>> -> memref<896x64xf32, #tpu.memory_space<hbm>>
    %dma_wait3A_642 = arith.constant 0 : i32
    %dma_wait3A_643 = arith.constant 0 : i32
    %dma_wait3A_644 = tpu.memref_slice %arg7[%dma_wait3A_634, %dma_wait3A_642, %dma_wait3A_643] : memref<2x896x64xf32, #tpu.memory_space<vmem>> -> memref<1x896x64xf32, #tpu.memory_space<vmem>>
    %dma_wait3A_645 = tpu.memref_squeeze %dma_wait3A_644 : memref<1x896x64xf32, #tpu.memory_space<vmem>> -> memref<896x64xf32, #tpu.memory_space<vmem>>
    %dma_wait3A_646 = arith.constant 0 : i32
    %dma_wait3A_647 = arith.constant 0 : i32
    %dma_wait3A_648 = tpu.memref_slice %arg3[%dma_wait3A_646, %dma_wait3A_647] : memref<1000000x64xf32, #tpu.memory_space<hbm>> -> memref<896x64xf32, #tpu.memory_space<hbm>>
    tpu.wait_dma2 semaphore(%arg8 : memref<!tpu.dma_semaphore, #tpu.memory_space<semaphore_mem>>) src(%dma_wait3A_648 : memref<896x64xf32, #tpu.memory_space<hbm>>) dst(%dma_wait3A_645 : memref<896x64xf32, #tpu.memory_space<vmem>>)
    %add3A_649 = arith.constant 504 : i32
    %add3A_650 = arith.addi %mul3A_2, %add3A_649 : i32
    %add3A_651 = arith.constant 0 : i32
    %add3A_652 = arith.addi %add3A_650, %add3A_651 : i32
    %dma_start3A_653 = arith.constant 0 : i32
    %dma_start3A_654 = arith.constant 0 : i32
    %dma_start3A_655 = arith.constant 0 : i32
    %dma_start3A_656 = tpu.memref_slice %arg7[%dma_start3A_653, %dma_start3A_654, %dma_start3A_655] : memref<2x896x64xf32, #tpu.memory_space<vmem>> -> memref<1x200x64xf32, #tpu.memory_space<vmem>>
    %dma_start3A_657 = tpu.memref_squeeze %dma_start3A_656 : memref<1x200x64xf32, #tpu.memory_space<vmem>> -> memref<200x64xf32, #tpu.memory_space<vmem>>
    %dma_start3A_658 = arith.constant 0 : i32
    %dma_start3A_659 = arith.constant 0 : i32
    %dma_start3A_660 = tpu.memref_slice %arg4[%add3A_652, %dma_start3A_658, %dma_start3A_659] : memref<16384x200x128xf32, #tpu.memory_space<hbm>> -> memref<1x200x64xf32, #tpu.memory_space<hbm>>
    %dma_start3A_661 = tpu.memref_squeeze %dma_start3A_660 : memref<1x200x64xf32, #tpu.memory_space<hbm>> -> memref<200x64xf32, #tpu.memory_space<hbm>>
    %dma_start3A_662 = arith.constant 0 : i32
    %dma_start3A_663 = arith.constant 0 : i32
    %dma_start3A_664 = tpu.memref_slice %arg4[%add3A_652, %dma_start3A_662, %dma_start3A_663] : memref<16384x200x128xf32, #tpu.memory_space<hbm>> -> memref<1x200x64xf32, #tpu.memory_space<hbm>>
    %dma_start3A_665 = tpu.memref_squeeze %dma_start3A_664 : memref<1x200x64xf32, #tpu.memory_space<hbm>> -> memref<200x64xf32, #tpu.memory_space<hbm>>
    %dma_start3A_666 = arith.constant 0 : i32
    %dma_start3A_667 = arith.constant 0 : i32
    %dma_start3A_668 = tpu.memref_slice %arg7[%dma_start3A_653, %dma_start3A_666, %dma_start3A_667] : memref<2x896x64xf32, #tpu.memory_space<vmem>> -> memref<1x200x64xf32, #tpu.memory_space<vmem>>
    %dma_start3A_669 = tpu.memref_squeeze %dma_start3A_668 : memref<1x200x64xf32, #tpu.memory_space<vmem>> -> memref<200x64xf32, #tpu.memory_space<vmem>>
    tpu.enqueue_dma source(%dma_start3A_669 : memref<200x64xf32, #tpu.memory_space<vmem>>) target(%dma_start3A_665 : memref<200x64xf32, #tpu.memory_space<hbm>>) target_semaphore(%arg10 : memref<!tpu.dma_semaphore, #tpu.memory_space<semaphore_mem>>)
    %add3A_670 = arith.constant 504 : i32
    %add3A_671 = arith.addi %mul3A_2, %add3A_670 : i32
    %add3A_672 = arith.constant 1 : i32
    %add3A_673 = arith.addi %add3A_671, %add3A_672 : i32
    %dma_start3A_674 = arith.constant 0 : i32
    %dma_start3A_675 = arith.constant 200 : i32
    %dma_start3A_676 = arith.constant 0 : i32
    %dma_start3A_677 = tpu.memref_slice %arg7[%dma_start3A_674, %dma_start3A_675, %dma_start3A_676] : memref<2x896x64xf32, #tpu.memory_space<vmem>> -> memref<1x200x64xf32, #tpu.memory_space<vmem>>
    %dma_start3A_678 = tpu.memref_squeeze %dma_start3A_677 : memref<1x200x64xf32, #tpu.memory_space<vmem>> -> memref<200x64xf32, #tpu.memory_space<vmem>>
    %dma_start3A_679 = arith.constant 0 : i32
    %dma_start3A_680 = arith.constant 0 : i32
    %dma_start3A_681 = tpu.memref_slice %arg4[%add3A_673, %dma_start3A_679, %dma_start3A_680] : memref<16384x200x128xf32, #tpu.memory_space<hbm>> -> memref<1x200x64xf32, #tpu.memory_space<hbm>>
    %dma_start3A_682 = tpu.memref_squeeze %dma_start3A_681 : memref<1x200x64xf32, #tpu.memory_space<hbm>> -> memref<200x64xf32, #tpu.memory_space<hbm>>
    %dma_start3A_683 = arith.constant 0 : i32
    %dma_start3A_684 = arith.constant 0 : i32
    %dma_start3A_685 = tpu.memref_slice %arg4[%add3A_673, %dma_start3A_683, %dma_start3A_684] : memref<16384x200x128xf32, #tpu.memory_space<hbm>> -> memref<1x200x64xf32, #tpu.memory_space<hbm>>
    %dma_start3A_686 = tpu.memref_squeeze %dma_start3A_685 : memref<1x200x64xf32, #tpu.memory_space<hbm>> -> memref<200x64xf32, #tpu.memory_space<hbm>>
    %dma_start3A_687 = arith.constant 200 : i32
    %dma_start3A_688 = arith.constant 0 : i32
    %dma_start3A_689 = tpu.memref_slice %arg7[%dma_start3A_674, %dma_start3A_687, %dma_start3A_688] : memref<2x896x64xf32, #tpu.memory_space<vmem>> -> memref<1x200x64xf32, #tpu.memory_space<vmem>>
    %dma_start3A_690 = tpu.memref_squeeze %dma_start3A_689 : memref<1x200x64xf32, #tpu.memory_space<vmem>> -> memref<200x64xf32, #tpu.memory_space<vmem>>
    tpu.enqueue_dma source(%dma_start3A_690 : memref<200x64xf32, #tpu.memory_space<vmem>>) target(%dma_start3A_686 : memref<200x64xf32, #tpu.memory_space<hbm>>) target_semaphore(%arg10 : memref<!tpu.dma_semaphore, #tpu.memory_space<semaphore_mem>>)
    %add3A_691 = arith.constant 504 : i32
    %add3A_692 = arith.addi %mul3A_2, %add3A_691 : i32
    %add3A_693 = arith.constant 2 : i32
    %add3A_694 = arith.addi %add3A_692, %add3A_693 : i32
    %dma_start3A_695 = arith.constant 0 : i32
    %dma_start3A_696 = arith.constant 400 : i32
    %dma_start3A_697 = arith.constant 0 : i32
    %dma_start3A_698 = tpu.memref_slice %arg7[%dma_start3A_695, %dma_start3A_696, %dma_start3A_697] : memref<2x896x64xf32, #tpu.memory_space<vmem>> -> memref<1x200x64xf32, #tpu.memory_space<vmem>>
    %dma_start3A_699 = tpu.memref_squeeze %dma_start3A_698 : memref<1x200x64xf32, #tpu.memory_space<vmem>> -> memref<200x64xf32, #tpu.memory_space<vmem>>
    %dma_start3A_700 = arith.constant 0 : i32
    %dma_start3A_701 = arith.constant 0 : i32
    %dma_start3A_702 = tpu.memref_slice %arg4[%add3A_694, %dma_start3A_700, %dma_start3A_701] : memref<16384x200x128xf32, #tpu.memory_space<hbm>> -> memref<1x200x64xf32, #tpu.memory_space<hbm>>
    %dma_start3A_703 = tpu.memref_squeeze %dma_start3A_702 : memref<1x200x64xf32, #tpu.memory_space<hbm>> -> memref<200x64xf32, #tpu.memory_space<hbm>>
    %dma_start3A_704 = arith.constant 0 : i32
    %dma_start3A_705 = arith.constant 0 : i32
    %dma_start3A_706 = tpu.memref_slice %arg4[%add3A_694, %dma_start3A_704, %dma_start3A_705] : memref<16384x200x128xf32, #tpu.memory_space<hbm>> -> memref<1x200x64xf32, #tpu.memory_space<hbm>>
    %dma_start3A_707 = tpu.memref_squeeze %dma_start3A_706 : memref<1x200x64xf32, #tpu.memory_space<hbm>> -> memref<200x64xf32, #tpu.memory_space<hbm>>
    %dma_start3A_708 = arith.constant 400 : i32
    %dma_start3A_709 = arith.constant 0 : i32
    %dma_start3A_710 = tpu.memref_slice %arg7[%dma_start3A_695, %dma_start3A_708, %dma_start3A_709] : memref<2x896x64xf32, #tpu.memory_space<vmem>> -> memref<1x200x64xf32, #tpu.memory_space<vmem>>
    %dma_start3A_711 = tpu.memref_squeeze %dma_start3A_710 : memref<1x200x64xf32, #tpu.memory_space<vmem>> -> memref<200x64xf32, #tpu.memory_space<vmem>>
    tpu.enqueue_dma source(%dma_start3A_711 : memref<200x64xf32, #tpu.memory_space<vmem>>) target(%dma_start3A_707 : memref<200x64xf32, #tpu.memory_space<hbm>>) target_semaphore(%arg10 : memref<!tpu.dma_semaphore, #tpu.memory_space<semaphore_mem>>)
    %add3A_712 = arith.constant 504 : i32
    %add3A_713 = arith.addi %mul3A_2, %add3A_712 : i32
    %add3A_714 = arith.constant 3 : i32
    %add3A_715 = arith.addi %add3A_713, %add3A_714 : i32
    %dma_start3A_716 = arith.constant 0 : i32
    %dma_start3A_717 = arith.constant 600 : i32
    %dma_start3A_718 = arith.constant 0 : i32
    %dma_start3A_719 = tpu.memref_slice %arg7[%dma_start3A_716, %dma_start3A_717, %dma_start3A_718] : memref<2x896x64xf32, #tpu.memory_space<vmem>> -> memref<1x200x64xf32, #tpu.memory_space<vmem>>
    %dma_start3A_720 = tpu.memref_squeeze %dma_start3A_719 : memref<1x200x64xf32, #tpu.memory_space<vmem>> -> memref<200x64xf32, #tpu.memory_space<vmem>>
    %dma_start3A_721 = arith.constant 0 : i32
    %dma_start3A_722 = arith.constant 0 : i32
    %dma_start3A_723 = tpu.memref_slice %arg4[%add3A_715, %dma_start3A_721, %dma_start3A_722] : memref<16384x200x128xf32, #tpu.memory_space<hbm>> -> memref<1x200x64xf32, #tpu.memory_space<hbm>>
    %dma_start3A_724 = tpu.memref_squeeze %dma_start3A_723 : memref<1x200x64xf32, #tpu.memory_space<hbm>> -> memref<200x64xf32, #tpu.memory_space<hbm>>
    %dma_start3A_725 = arith.constant 0 : i32
    %dma_start3A_726 = arith.constant 0 : i32
    %dma_start3A_727 = tpu.memref_slice %arg4[%add3A_715, %dma_start3A_725, %dma_start3A_726] : memref<16384x200x128xf32, #tpu.memory_space<hbm>> -> memref<1x200x64xf32, #tpu.memory_space<hbm>>
    %dma_start3A_728 = tpu.memref_squeeze %dma_start3A_727 : memref<1x200x64xf32, #tpu.memory_space<hbm>> -> memref<200x64xf32, #tpu.memory_space<hbm>>
    %dma_start3A_729 = arith.constant 600 : i32
    %dma_start3A_730 = arith.constant 0 : i32
    %dma_start3A_731 = tpu.memref_slice %arg7[%dma_start3A_716, %dma_start3A_729, %dma_start3A_730] : memref<2x896x64xf32, #tpu.memory_space<vmem>> -> memref<1x200x64xf32, #tpu.memory_space<vmem>>
    %dma_start3A_732 = tpu.memref_squeeze %dma_start3A_731 : memref<1x200x64xf32, #tpu.memory_space<vmem>> -> memref<200x64xf32, #tpu.memory_space<vmem>>
    tpu.enqueue_dma source(%dma_start3A_732 : memref<200x64xf32, #tpu.memory_space<vmem>>) target(%dma_start3A_728 : memref<200x64xf32, #tpu.memory_space<hbm>>) target_semaphore(%arg10 : memref<!tpu.dma_semaphore, #tpu.memory_space<semaphore_mem>>)
    %dma_wait3A_733 = arith.constant 1 : i32
    %dma_wait3A_734 = arith.constant 0 : i32
    %dma_wait3A_735 = arith.constant 0 : i32
    %dma_wait3A_736 = tpu.memref_slice %arg7[%dma_wait3A_733, %dma_wait3A_734, %dma_wait3A_735] : memref<2x896x64xf32, #tpu.memory_space<vmem>> -> memref<1x896x64xf32, #tpu.memory_space<vmem>>
    %dma_wait3A_737 = tpu.memref_squeeze %dma_wait3A_736 : memref<1x896x64xf32, #tpu.memory_space<vmem>> -> memref<896x64xf32, #tpu.memory_space<vmem>>
    %dma_wait3A_738 = arith.constant 0 : i32
    %dma_wait3A_739 = arith.constant 0 : i32
    %dma_wait3A_740 = tpu.memref_slice %arg3[%dma_wait3A_738, %dma_wait3A_739] : memref<1000000x64xf32, #tpu.memory_space<hbm>> -> memref<896x64xf32, #tpu.memory_space<hbm>>
    %dma_wait3A_741 = arith.constant 0 : i32
    %dma_wait3A_742 = arith.constant 0 : i32
    %dma_wait3A_743 = tpu.memref_slice %arg7[%dma_wait3A_733, %dma_wait3A_741, %dma_wait3A_742] : memref<2x896x64xf32, #tpu.memory_space<vmem>> -> memref<1x896x64xf32, #tpu.memory_space<vmem>>
    %dma_wait3A_744 = tpu.memref_squeeze %dma_wait3A_743 : memref<1x896x64xf32, #tpu.memory_space<vmem>> -> memref<896x64xf32, #tpu.memory_space<vmem>>
    %dma_wait3A_745 = arith.constant 0 : i32
    %dma_wait3A_746 = arith.constant 0 : i32
    %dma_wait3A_747 = tpu.memref_slice %arg3[%dma_wait3A_745, %dma_wait3A_746] : memref<1000000x64xf32, #tpu.memory_space<hbm>> -> memref<896x64xf32, #tpu.memory_space<hbm>>
    tpu.wait_dma2 semaphore(%arg9 : memref<!tpu.dma_semaphore, #tpu.memory_space<semaphore_mem>>) src(%dma_wait3A_747 : memref<896x64xf32, #tpu.memory_space<hbm>>) dst(%dma_wait3A_744 : memref<896x64xf32, #tpu.memory_space<vmem>>)
    %add3A_748 = arith.constant 508 : i32
    %add3A_749 = arith.addi %mul3A_2, %add3A_748 : i32
    %add3A_750 = arith.constant 0 : i32
    %add3A_751 = arith.addi %add3A_749, %add3A_750 : i32
    %dma_start3A_752 = arith.constant 1 : i32
    %dma_start3A_753 = arith.constant 0 : i32
    %dma_start3A_754 = arith.constant 0 : i32
    %dma_start3A_755 = tpu.memref_slice %arg7[%dma_start3A_752, %dma_start3A_753, %dma_start3A_754] : memref<2x896x64xf32, #tpu.memory_space<vmem>> -> memref<1x200x64xf32, #tpu.memory_space<vmem>>
    %dma_start3A_756 = tpu.memref_squeeze %dma_start3A_755 : memref<1x200x64xf32, #tpu.memory_space<vmem>> -> memref<200x64xf32, #tpu.memory_space<vmem>>
    %dma_start3A_757 = arith.constant 0 : i32
    %dma_start3A_758 = arith.constant 0 : i32
    %dma_start3A_759 = tpu.memref_slice %arg4[%add3A_751, %dma_start3A_757, %dma_start3A_758] : memref<16384x200x128xf32, #tpu.memory_space<hbm>> -> memref<1x200x64xf32, #tpu.memory_space<hbm>>
    %dma_start3A_760 = tpu.memref_squeeze %dma_start3A_759 : memref<1x200x64xf32, #tpu.memory_space<hbm>> -> memref<200x64xf32, #tpu.memory_space<hbm>>
    %dma_start3A_761 = arith.constant 0 : i32
    %dma_start3A_762 = arith.constant 0 : i32
    %dma_start3A_763 = tpu.memref_slice %arg4[%add3A_751, %dma_start3A_761, %dma_start3A_762] : memref<16384x200x128xf32, #tpu.memory_space<hbm>> -> memref<1x200x64xf32, #tpu.memory_space<hbm>>
    %dma_start3A_764 = tpu.memref_squeeze %dma_start3A_763 : memref<1x200x64xf32, #tpu.memory_space<hbm>> -> memref<200x64xf32, #tpu.memory_space<hbm>>
    %dma_start3A_765 = arith.constant 0 : i32
    %dma_start3A_766 = arith.constant 0 : i32
    %dma_start3A_767 = tpu.memref_slice %arg7[%dma_start3A_752, %dma_start3A_765, %dma_start3A_766] : memref<2x896x64xf32, #tpu.memory_space<vmem>> -> memref<1x200x64xf32, #tpu.memory_space<vmem>>
    %dma_start3A_768 = tpu.memref_squeeze %dma_start3A_767 : memref<1x200x64xf32, #tpu.memory_space<vmem>> -> memref<200x64xf32, #tpu.memory_space<vmem>>
    tpu.enqueue_dma source(%dma_start3A_768 : memref<200x64xf32, #tpu.memory_space<vmem>>) target(%dma_start3A_764 : memref<200x64xf32, #tpu.memory_space<hbm>>) target_semaphore(%arg11 : memref<!tpu.dma_semaphore, #tpu.memory_space<semaphore_mem>>)
    %add3A_769 = arith.constant 508 : i32
    %add3A_770 = arith.addi %mul3A_2, %add3A_769 : i32
    %add3A_771 = arith.constant 1 : i32
    %add3A_772 = arith.addi %add3A_770, %add3A_771 : i32
    %dma_start3A_773 = arith.constant 1 : i32
    %dma_start3A_774 = arith.constant 200 : i32
    %dma_start3A_775 = arith.constant 0 : i32
    %dma_start3A_776 = tpu.memref_slice %arg7[%dma_start3A_773, %dma_start3A_774, %dma_start3A_775] : memref<2x896x64xf32, #tpu.memory_space<vmem>> -> memref<1x200x64xf32, #tpu.memory_space<vmem>>
    %dma_start3A_777 = tpu.memref_squeeze %dma_start3A_776 : memref<1x200x64xf32, #tpu.memory_space<vmem>> -> memref<200x64xf32, #tpu.memory_space<vmem>>
    %dma_start3A_778 = arith.constant 0 : i32
    %dma_start3A_779 = arith.constant 0 : i32
    %dma_start3A_780 = tpu.memref_slice %arg4[%add3A_772, %dma_start3A_778, %dma_start3A_779] : memref<16384x200x128xf32, #tpu.memory_space<hbm>> -> memref<1x200x64xf32, #tpu.memory_space<hbm>>
    %dma_start3A_781 = tpu.memref_squeeze %dma_start3A_780 : memref<1x200x64xf32, #tpu.memory_space<hbm>> -> memref<200x64xf32, #tpu.memory_space<hbm>>
    %dma_start3A_782 = arith.constant 0 : i32
    %dma_start3A_783 = arith.constant 0 : i32
    %dma_start3A_784 = tpu.memref_slice %arg4[%add3A_772, %dma_start3A_782, %dma_start3A_783] : memref<16384x200x128xf32, #tpu.memory_space<hbm>> -> memref<1x200x64xf32, #tpu.memory_space<hbm>>
    %dma_start3A_785 = tpu.memref_squeeze %dma_start3A_784 : memref<1x200x64xf32, #tpu.memory_space<hbm>> -> memref<200x64xf32, #tpu.memory_space<hbm>>
    %dma_start3A_786 = arith.constant 200 : i32
    %dma_start3A_787 = arith.constant 0 : i32
    %dma_start3A_788 = tpu.memref_slice %arg7[%dma_start3A_773, %dma_start3A_786, %dma_start3A_787] : memref<2x896x64xf32, #tpu.memory_space<vmem>> -> memref<1x200x64xf32, #tpu.memory_space<vmem>>
    %dma_start3A_789 = tpu.memref_squeeze %dma_start3A_788 : memref<1x200x64xf32, #tpu.memory_space<vmem>> -> memref<200x64xf32, #tpu.memory_space<vmem>>
    tpu.enqueue_dma source(%dma_start3A_789 : memref<200x64xf32, #tpu.memory_space<vmem>>) target(%dma_start3A_785 : memref<200x64xf32, #tpu.memory_space<hbm>>) target_semaphore(%arg11 : memref<!tpu.dma_semaphore, #tpu.memory_space<semaphore_mem>>)
    %add3A_790 = arith.constant 508 : i32
    %add3A_791 = arith.addi %mul3A_2, %add3A_790 : i32
    %add3A_792 = arith.constant 2 : i32
    %add3A_793 = arith.addi %add3A_791, %add3A_792 : i32
    %dma_start3A_794 = arith.constant 1 : i32
    %dma_start3A_795 = arith.constant 400 : i32
    %dma_start3A_796 = arith.constant 0 : i32
    %dma_start3A_797 = tpu.memref_slice %arg7[%dma_start3A_794, %dma_start3A_795, %dma_start3A_796] : memref<2x896x64xf32, #tpu.memory_space<vmem>> -> memref<1x200x64xf32, #tpu.memory_space<vmem>>
    %dma_start3A_798 = tpu.memref_squeeze %dma_start3A_797 : memref<1x200x64xf32, #tpu.memory_space<vmem>> -> memref<200x64xf32, #tpu.memory_space<vmem>>
    %dma_start3A_799 = arith.constant 0 : i32
    %dma_start3A_800 = arith.constant 0 : i32
    %dma_start3A_801 = tpu.memref_slice %arg4[%add3A_793, %dma_start3A_799, %dma_start3A_800] : memref<16384x200x128xf32, #tpu.memory_space<hbm>> -> memref<1x200x64xf32, #tpu.memory_space<hbm>>
    %dma_start3A_802 = tpu.memref_squeeze %dma_start3A_801 : memref<1x200x64xf32, #tpu.memory_space<hbm>> -> memref<200x64xf32, #tpu.memory_space<hbm>>
    %dma_start3A_803 = arith.constant 0 : i32
    %dma_start3A_804 = arith.constant 0 : i32
    %dma_start3A_805 = tpu.memref_slice %arg4[%add3A_793, %dma_start3A_803, %dma_start3A_804] : memref<16384x200x128xf32, #tpu.memory_space<hbm>> -> memref<1x200x64xf32, #tpu.memory_space<hbm>>
    %dma_start3A_806 = tpu.memref_squeeze %dma_start3A_805 : memref<1x200x64xf32, #tpu.memory_space<hbm>> -> memref<200x64xf32, #tpu.memory_space<hbm>>
    %dma_start3A_807 = arith.constant 400 : i32
    %dma_start3A_808 = arith.constant 0 : i32
    %dma_start3A_809 = tpu.memref_slice %arg7[%dma_start3A_794, %dma_start3A_807, %dma_start3A_808] : memref<2x896x64xf32, #tpu.memory_space<vmem>> -> memref<1x200x64xf32, #tpu.memory_space<vmem>>
    %dma_start3A_810 = tpu.memref_squeeze %dma_start3A_809 : memref<1x200x64xf32, #tpu.memory_space<vmem>> -> memref<200x64xf32, #tpu.memory_space<vmem>>
    tpu.enqueue_dma source(%dma_start3A_810 : memref<200x64xf32, #tpu.memory_space<vmem>>) target(%dma_start3A_806 : memref<200x64xf32, #tpu.memory_space<hbm>>) target_semaphore(%arg11 : memref<!tpu.dma_semaphore, #tpu.memory_space<semaphore_mem>>)
    %add3A_811 = arith.constant 508 : i32
    %add3A_812 = arith.addi %mul3A_2, %add3A_811 : i32
    %add3A_813 = arith.constant 3 : i32
    %add3A_814 = arith.addi %add3A_812, %add3A_813 : i32
    %dma_start3A_815 = arith.constant 1 : i32
    %dma_start3A_816 = arith.constant 600 : i32
    %dma_start3A_817 = arith.constant 0 : i32
    %dma_start3A_818 = tpu.memref_slice %arg7[%dma_start3A_815, %dma_start3A_816, %dma_start3A_817] : memref<2x896x64xf32, #tpu.memory_space<vmem>> -> memref<1x200x64xf32, #tpu.memory_space<vmem>>
    %dma_start3A_819 = tpu.memref_squeeze %dma_start3A_818 : memref<1x200x64xf32, #tpu.memory_space<vmem>> -> memref<200x64xf32, #tpu.memory_space<vmem>>
    %dma_start3A_820 = arith.constant 0 : i32
    %dma_start3A_821 = arith.constant 0 : i32
    %dma_start3A_822 = tpu.memref_slice %arg4[%add3A_814, %dma_start3A_820, %dma_start3A_821] : memref<16384x200x128xf32, #tpu.memory_space<hbm>> -> memref<1x200x64xf32, #tpu.memory_space<hbm>>
    %dma_start3A_823 = tpu.memref_squeeze %dma_start3A_822 : memref<1x200x64xf32, #tpu.memory_space<hbm>> -> memref<200x64xf32, #tpu.memory_space<hbm>>
    %dma_start3A_824 = arith.constant 0 : i32
    %dma_start3A_825 = arith.constant 0 : i32
    %dma_start3A_826 = tpu.memref_slice %arg4[%add3A_814, %dma_start3A_824, %dma_start3A_825] : memref<16384x200x128xf32, #tpu.memory_space<hbm>> -> memref<1x200x64xf32, #tpu.memory_space<hbm>>
    %dma_start3A_827 = tpu.memref_squeeze %dma_start3A_826 : memref<1x200x64xf32, #tpu.memory_space<hbm>> -> memref<200x64xf32, #tpu.memory_space<hbm>>
    %dma_start3A_828 = arith.constant 600 : i32
    %dma_start3A_829 = arith.constant 0 : i32
    %dma_start3A_830 = tpu.memref_slice %arg7[%dma_start3A_815, %dma_start3A_828, %dma_start3A_829] : memref<2x896x64xf32, #tpu.memory_space<vmem>> -> memref<1x200x64xf32, #tpu.memory_space<vmem>>
    %dma_start3A_831 = tpu.memref_squeeze %dma_start3A_830 : memref<1x200x64xf32, #tpu.memory_space<vmem>> -> memref<200x64xf32, #tpu.memory_space<vmem>>
    tpu.enqueue_dma source(%dma_start3A_831 : memref<200x64xf32, #tpu.memory_space<vmem>>) target(%dma_start3A_827 : memref<200x64xf32, #tpu.memory_space<hbm>>) target_semaphore(%arg11 : memref<!tpu.dma_semaphore, #tpu.memory_space<semaphore_mem>>)
    %dma_wait3A_832 = arith.constant 0 : i32
    %dma_wait3A_833 = arith.constant 0 : i32
    %dma_wait3A_834 = arith.constant 0 : i32
    %dma_wait3A_835 = tpu.memref_slice %arg7[%dma_wait3A_832, %dma_wait3A_833, %dma_wait3A_834] : memref<2x896x64xf32, #tpu.memory_space<vmem>> -> memref<1x800x64xf32, #tpu.memory_space<vmem>>
    %dma_wait3A_836 = tpu.memref_squeeze %dma_wait3A_835 : memref<1x800x64xf32, #tpu.memory_space<vmem>> -> memref<800x64xf32, #tpu.memory_space<vmem>>
    %dma_wait3A_837 = arith.constant 0 : i32
    %dma_wait3A_838 = arith.constant 0 : i32
    %dma_wait3A_839 = tpu.memref_slice %arg3[%dma_wait3A_837, %dma_wait3A_838] : memref<1000000x64xf32, #tpu.memory_space<hbm>> -> memref<800x64xf32, #tpu.memory_space<hbm>>
    %dma_wait3A_840 = arith.constant 0 : i32
    %dma_wait3A_841 = arith.constant 0 : i32
    %dma_wait3A_842 = tpu.memref_slice %arg3[%dma_wait3A_840, %dma_wait3A_841] : memref<1000000x64xf32, #tpu.memory_space<hbm>> -> memref<800x64xf32, #tpu.memory_space<hbm>>
    %dma_wait3A_843 = arith.constant 0 : i32
    %dma_wait3A_844 = arith.constant 0 : i32
    %dma_wait3A_845 = tpu.memref_slice %arg7[%dma_wait3A_832, %dma_wait3A_843, %dma_wait3A_844] : memref<2x896x64xf32, #tpu.memory_space<vmem>> -> memref<1x800x64xf32, #tpu.memory_space<vmem>>
    %dma_wait3A_846 = tpu.memref_squeeze %dma_wait3A_845 : memref<1x800x64xf32, #tpu.memory_space<vmem>> -> memref<800x64xf32, #tpu.memory_space<vmem>>
    tpu.wait_dma2 semaphore(%arg10 : memref<!tpu.dma_semaphore, #tpu.memory_space<semaphore_mem>>) src(%dma_wait3A_846 : memref<800x64xf32, #tpu.memory_space<vmem>>) dst(%dma_wait3A_842 : memref<800x64xf32, #tpu.memory_space<hbm>>)
    %dma_wait3A_847 = arith.constant 1 : i32
    %dma_wait3A_848 = arith.constant 0 : i32
    %dma_wait3A_849 = arith.constant 0 : i32
    %dma_wait3A_850 = tpu.memref_slice %arg7[%dma_wait3A_847, %dma_wait3A_848, %dma_wait3A_849] : memref<2x896x64xf32, #tpu.memory_space<vmem>> -> memref<1x800x64xf32, #tpu.memory_space<vmem>>
    %dma_wait3A_851 = tpu.memref_squeeze %dma_wait3A_850 : memref<1x800x64xf32, #tpu.memory_space<vmem>> -> memref<800x64xf32, #tpu.memory_space<vmem>>
    %dma_wait3A_852 = arith.constant 0 : i32
    %dma_wait3A_853 = arith.constant 0 : i32
    %dma_wait3A_854 = tpu.memref_slice %arg3[%dma_wait3A_852, %dma_wait3A_853] : memref<1000000x64xf32, #tpu.memory_space<hbm>> -> memref<800x64xf32, #tpu.memory_space<hbm>>
    %dma_wait3A_855 = arith.constant 0 : i32
    %dma_wait3A_856 = arith.constant 0 : i32
    %dma_wait3A_857 = tpu.memref_slice %arg3[%dma_wait3A_855, %dma_wait3A_856] : memref<1000000x64xf32, #tpu.memory_space<hbm>> -> memref<800x64xf32, #tpu.memory_space<hbm>>
    %dma_wait3A_858 = arith.constant 0 : i32
    %dma_wait3A_859 = arith.constant 0 : i32
    %dma_wait3A_860 = tpu.memref_slice %arg7[%dma_wait3A_847, %dma_wait3A_858, %dma_wait3A_859] : memref<2x896x64xf32, #tpu.memory_space<vmem>> -> memref<1x800x64xf32, #tpu.memory_space<vmem>>
    %dma_wait3A_861 = tpu.memref_squeeze %dma_wait3A_860 : memref<1x800x64xf32, #tpu.memory_space<vmem>> -> memref<800x64xf32, #tpu.memory_space<vmem>>
    tpu.wait_dma2 semaphore(%arg11 : memref<!tpu.dma_semaphore, #tpu.memory_space<semaphore_mem>>) src(%dma_wait3A_861 : memref<800x64xf32, #tpu.memory_space<vmem>>) dst(%dma_wait3A_857 : memref<800x64xf32, #tpu.memory_space<hbm>>)
    return
  }
}

</mosaic_0001>

<sc_bundles>
// kernel: kernel.3.cloned.1.call-start
scs
__scs_entry_jumppad:
0x0: {  	(pc) =	sbr.rel $0x88, $3  }
0x1: {  	(tag) =	ssettag $0x0;
	lr =	simm.s32 $0x1  }
0x2: {  	[smem:$0x3F9F] =	sst lr;
	_ =	strace $0xD0000000  }
0x3: {  	_ = 	snop  }
0x4: {  	_ = 	snop  }
0x5: {  	_ = 	snop  }
0x6: {  	_ = 	snop  }
0x7: {  	_ = 	snop  }
__scs_overlays_trampoline_lowered:
0x8: {  	[smem:$0x3FAE] =	sst s0  }
0x9: {  	[smem:$0x3FAF] =	sst s1  }
0xa: {  	[smem:$0x3FB0] =	sst s2  }
0xb: {  	[smem:$0x3FB1] =	sst s3  }
0xc: {  	[smem:$0x3FB2] =	sst s4  }
0xd: {  	[smem:$0x3FB3] =	sst s5  }
0xe: {  	[smem:$0x3FB4] =	sst s6  }
0xf: {  	[smem:$0x3FB5] =	sst s7  }
0x10: {  	[smem:$0x3FB6] =	sst s8  }
0x11: {  	[smem:$0x3FB7] =	sst s9;
	s0 =	simm.s32 @!p0 $0x0  }
0x12: {  	s1 =	sld [smem:$0x3F9D];
	s0 =	simm.s32 @p0 $0x1  }
0x13: {  	[smem:$0x3FB8] =	sst s0;
	s0 =	simm.s32 @!p1 $0x0  }
0x14: {  	s2 =	sld [smem:$0x3F9C];
	s0 =	simm.s32 @p1 $0x1  }
0x15: {  	[smem:$0x3FB9] =	sst s0;
	s0 =	simm.s32 @!p2 $0x0  }
0x16: {  	s3 =	sld [smem:$0x3FDB];
	s0 =	simm.s32 @p2 $0x1  }
0x17: {  	s4 =	simm.s32 $0x1BF5;
	[smem:$0x3FBB] =	sst s0  }
0x18: {  	s0 =	sld [smem:$0x3F9E];
	_ =	swait.ge [sflag:s4], $0x0  }
0x19: {  	s7 =	sld [smem:$0x3F9F]  }
0x1a: {  	s8 =	sadd.s32 $0xFFFFE003, lr  }
0x1b: {  	s9 =	sadd.s32 $0xFFFFFEF7, lr;
	s5 =	simm.s32 $0xFFFFFFFF;
	p2 =	slt.u32 s8, $0xFFFFF086  }
0x1c: {  	p1 =	slt.u32 s9, $0xF7A;
	s5 =	simm.s32 @!p2 $0x0  }
0x1d: {  	s5 =	simm.s32 @p1 $0x1;
	p0 =	seq.s32 s7, s2  }
0x1e: {  	s7 =	smul.u32 @!p0 $0xF7A, s2;
	p2 =	seq.s32 @!p0 s5, $0x0  }
0x1f: {  	s9 =	smul.u32 $0xF7A, s1;
	s8 =	simm.s32 @!p0 $0x1BF5;
	p2 =	por !p2, p0  }
0x20: {  	[sflag:s8] =	ssyncset.s32 @!p0 $0xFFFFF086;
	s6 =	sadd.s32 @!p0 s3, s7;
	s7 =	simm.s32 @!p0 $0x108  }
0x21: {  	s3 =	sadd.s32 s3, s9;
	s6 =	sadd.s32 @!p0 $0x88, s6;
	s7 =	simm.s32 @p2 $0x1082  }
0x22: {  	[simem:s7], [sflag:s8] =	dma.local @!p0 [hbm:s6], $0xF7A  }
0x23: {  	s9 =	sor.u32 $0xD0000000, s2;
	s6 =	simm.s32 $0x108;
	_ =	swait.ge @!p0 [sflag:s8], $0x0  }
0x24: {  	s3 =	sadd.s32 $0x88, s3;
	s6 =	simm.s32 @!p1 $0x1082;
	[sflag:s4] =	ssyncset.s32 $0xFFFFF086  }
0x25: {  	[simem:s6], [sflag:s4] =	dma.local [hbm:s3], $0xF7A  }
0x26: {  	[smem:$0x3F9F] =	sst s1;
	(tag) =	ssettag s2;
	_ =	strace s9  }
0x27: {  	s1 =	sld [smem:$0x3FAF]  }
0x28: {  	s2 =	sld [smem:$0x3FB0]  }
0x29: {  	s4 =	sld [smem:$0x3FB2]  }
0x2a: {  	p0 =	seq.s32 s5, $0x0;
	s5 =	sld [smem:$0x3FB3]  }
0x2b: {  	s6 =	sld [smem:$0x3FB4]  }
0x2c: {  	s7 =	sld [smem:$0x3FB5]  }
0x2d: {  	s3 =	simm.s32 $0x108;
	s8 =	sld [smem:$0x3FB6]  }
0x2e: {  	s3 =	simm.s32 @!p0 $0x1082;
	s9 =	sld [smem:$0x3FB7]  }
0x2f: {  	lr =	sadd.s32 s0, s3;
	s0 =	sld [smem:$0x3FAE]  }
0x30: {  	s3 =	sld [smem:$0x3FB1]  }
0x31: {  	[smem:$0x3FBA] =	sst s10  }
0x32: {  	s10 =	sld [smem:$0x3FB8];
	_ =	sdelay $0x3  }
0x33: {  	p0 =	seq.s32 s10, $0x1;
	s10 =	sld [smem:$0x3FBA];
	_ =	sdelay $0x3  }
0x34: {  	[smem:$0x3FBA] =	sst s10  }
0x35: {  	s10 =	sld [smem:$0x3FB9];
	_ =	sdelay $0x3  }
0x36: {  	p1 =	seq.s32 s10, $0x1;
	s10 =	sld [smem:$0x3FBA];
	_ =	sdelay $0x3  }
0x37: {  	[smem:$0x3FBA] =	sst s10  }
0x38: {  	s10 =	sld [smem:$0x3FBB]  }
0x39: {  	_ = 	snop;
	(pc) =	sbr.ind lr, $3  }
0x3a: {  	_ = 	snop  }
0x3b: {  	_ = 	snop  }
0x3c: {  	p2 =	seq.s32 s10, $0x1;
	s10 =	sld [smem:$0x3FBA]  }
0x3d: {  	_ =	shalt  }
0x3e: {  	_ =	shalt  }
0x3f: {  	_ =	shalt  }
0x40: {  	_ =	shalt  }
0x41: {  	_ =	shalt  }
0x42: {  	_ =	shalt  }
0x43: {  	_ =	shalt  }
0x44: {  	_ =	shalt  }
0x45: {  	_ =	shalt  }
0x46: {  	_ =	shalt  }
0x47: {  	_ =	shalt  }
0x48: {  	_ =	shalt  }
0x49: {  	_ =	shalt  }
0x4a: {  	_ =	shalt  }
0x4b: {  	_ =	shalt  }
0x4c: {  	_ =	shalt  }
0x4d: {  	_ =	shalt  }
0x4e: {  	_ =	shalt  }
0x4f: {  	_ =	shalt  }
0x50: {  	_ =	shalt  }
0x51: {  	_ =	shalt  }
0x52: {  	_ =	shalt  }
0x53: {  	_ =	shalt  }
0x54: {  	_ =	shalt  }
0x55: {  	_ =	shalt  }
0x56: {  	_ =	shalt  }
0x57: {  	_ =	shalt  }
0x58: {  	_ =	shalt  }
0x59: {  	_ =	shalt  }
0x5a: {  	_ =	shalt  }
0x5b: {  	_ =	shalt  }
0x5c: {  	_ =	shalt  }
0x5d: {  	_ =	shalt  }
0x5e: {  	_ =	shalt  }
0x5f: {  	_ =	shalt  }
0x60: {  	_ =	shalt  }
0x61: {  	_ =	shalt  }
0x62: {  	_ =	shalt  }
0x63: {  	_ =	shalt  }
0x64: {  	_ =	shalt  }
0x65: {  	_ =	shalt  }
0x66: {  	_ =	shalt  }
0x67: {  	_ =	shalt  }
0x68: {  	_ =	shalt  }
0x69: {  	_ =	shalt  }
0x6a: {  	_ =	shalt  }
0x6b: {  	_ =	shalt  }
0x6c: {  	_ =	shalt  }
0x6d: {  	_ =	shalt  }
0x6e: {  	_ =	shalt  }
0x6f: {  	_ =	shalt  }
0x70: {  	_ =	shalt  }
0x71: {  	_ =	shalt  }
0x72: {  	_ =	shalt  }
0x73: {  	_ =	shalt  }
0x74: {  	_ =	shalt  }
0x75: {  	_ =	shalt  }
0x76: {  	_ =	shalt  }
0x77: {  	_ =	shalt  }
0x78: {  	_ =	shalt  }
0x79: {  	_ =	shalt  }
0x7a: {  	_ =	shalt  }
0x7b: {  	_ =	shalt  }
0x7c: {  	_ =	shalt  }
0x7d: {  	_ =	shalt  }
0x7e: {  	_ =	shalt  }
0x7f: {  	_ =	shalt  }
0x80: {  	_ =	shalt  }
0x81: {  	_ =	shalt  }
0x82: {  	_ =	shalt  }
0x83: {  	_ =	shalt  }
0x84: {  	_ =	shalt  }
0x85: {  	_ =	shalt  }
0x86: {  	_ =	shalt  }
0x87: {  	_ =	shalt  }
.Lfunc_end0:
.L_simem_size_0:
called_computation.1_lowered:
.L_overlay_start_0:
0x88: {  	s2 =	sld [smem:$0x3FD9]  }
0x89: {  	s3 =	sld [smem:$0x3FFE];
	_ =	sdelay $0x1  }
0x8a: {  	s1 =	srdreg.scid  }
0x8b: {  	s0 =	sand.u32 $0x1, s1  }
0x8c: {  	s16 =	sshll.u32 s0, $0xA;
	s2 =	sadd.s32 s3, s2  }
0x8d: {  	s2 =	sadd.s32 s2, s16  }
0x8e: {  	[smem:$0x3FC6] =	sst s2  }
0x8f: {  	_ = 	snop  }
0x90: {  	(tm) =	ssettm $0x1  }
0x91: {  	s17 =	sld [smem:$0x3FFB];
	_ =	sdelay $0x3  }
0x92: {  	_ =	strace s17  }
0x93: {  	s2 =	sld [smem:$0x3FFC];
	_ =	sdelay $0x3  }
0x94: {  	_ =	strace s2  }
0x95: {  	s2 =	sld [smem:$0x3FFD];
	_ =	sdelay $0x3  }
0x96: {  	_ =	strace s2  }
0x97: {  	_ =	strace $0x8FFFFFFF  }
0x98: {  	s18 =	sld [smem:$0x3FDB];
	_ =	sdelay $0x1  }
0x99: {  	s19 =	simm.s32 $_scs_section_size  }
0x9a: {  	s4 =	simm.s32 $_size__tile_overlayer_lowered;
	s5 =	simm.s32 $_tile_overlayer_lowered  }
0x9b: {  	s22 =	simm.s32 $0x1BFF;
	s21 =	sshll.u32 s5, $0x1;
	s2 =	sadd.s32 s19, s18  }
0x9c: {  	s6 =	simm.s32 $0x0;
	s20 =	sshll.u32 s4, $0x1;
	s4 =	sadd.s32 s21, s2  }
0x9d: {  	[timem:s6], [sflag:s22] =	dma.local [hbm:s4], s20  }
0x9e: {  	_ =	swait.ge [sflag:s22], s20  }
0x9f: {  	s3 =	ssub.s32 $0x0, s20;
	[sflag:s22] =	ssyncset.done $0x0  }
0xa0: {  	[sflag:s22] =	ssyncadd.s32 s3;
	_ =	sdelay $0x1  }
0xa1: {  	s23 =	simm.s32 $0x1B8B  }
0xa2: {  	_ =	swait.ge [sflag:s23], $0x1  }
0xa3: {  	[sflag:s23] =	ssyncset.done $0x0  }
0xa4: {  	s25 =	simm.s32 $0x1B8E;
	s24 =	sld [smem:$0x3FFE];
	[sflag:s23] =	ssyncadd.s32 $0xFFFFFFFF  }
0xa5: {  	s26 =	simm.s32 $execute0_lowered;
	[smem:$0x3FD2] =	sst s25  }
0xa6: {  	s4 =	sshll.u32 s26, $0x1;
	_ =	strace $0x80000046;
	[dreg:$0x1] =	wrdreg $0xFFFFFFFF  }
0xa7: {  	s28 =	simm.s32 $_size_execute0_lowered;
	s2 =	sadd.s32 s2, s4;
	[dreg:$0x0] =	wrdreg $0x0  }
0xa8: {  	s4 =	sshll.u32 s28, $0x1;
	[dreg:$0x2] =	wrdreg s2  }
0xa9: {  	[dreg:$0x3] =	wrdreg s4  }
0xaa: {  	[dreg:$0x4] =	wrdreg $0xC0  }
0xab: {  	_ =	task [dreg:s6], $0x5FFFF  }
0xac: {  	[dreg:$0x1] =	wrdreg $0xFFFFFFFF  }
0xad: {  	[dreg:$0x0] =	wrdreg $0x60  }
0xae: {  	[dreg:$0x2] =	wrdreg s24  }
0xaf: {  	[dreg:$0x3] =	wrdreg $0x9  }
0xb0: {  	_ =	task.clear_ibuf [dreg:s6], $0x4FFFF;
	_ =	strace $0x90000046  }
0xb1: {  	s29 =	simm.s32 $0x9;
	_ =	strace $0x80000048  }
0xb2: {  	_ =	swait.ge [sflag:s29], $0x1  }
0xb3: {  	[sflag:s29] =	ssyncadd.s32 $0xFFFFFFFF  }
0xb4: {  	_ =	strace $0x90000048  }
0xb5: {  	_ =	sfence  }
0xb6: {  	s30 =	sld [smem:$0x0];
	_ =	sdelay $0x2  }
0xb7: {  	s31 =	sshll.u32 s1, $0xD;
	s1 =	sshrl.u32 s1, $0x2  }
0xb8: {  	s3 =	sand.u32 $0x4000, s31;
	s1 =	sadd.s32 s1, s30  }
0xb9: {  	s0 =	sor.u32 s3, s0;
	s1 =	sshll.u32 s1, $0x11  }
0xba: {  	s0 =	sor.u32 s1, s0  }
0xbb: {  	s0 =	sadd.s32 $0x8F2B, s0  }
0xbc: {  	[sflag:s0] =	ssyncadd.remote.s32 $0x1  }
0xbd: {  	_ =	sfence.sel $0xFFFF  }
0xbe: {  	[dreg:$0x0] =	wrdreg $0xFFFFFFFF;
	(pc) =	sbr.abs _section_cstart, $3  }
0xbf: {  	[dreg:$0x1] =	wrdreg $0xFFFFFFFF  }
0xc0: {  	_ =	task.clear_ibuf [dreg:s6], $0x2FFFF;
	_ =	strace $0x9FFFFFFF  }
0xc1: {  	(tm) =	ssettm $0x7FFFFFFF  }
tec
execute0_lowered:
.L_overlay_start_1:
0x0: {  	(tag) =	ssettag $0x1  }
0x1: {  	s0 =	rddreg [dreg:$0x0];
	s2 =	simm.s32 $0x0;
	s1 =	srdreg.scid  }
0x2: {  	s11 =	stileid.u32;
	s28 =	simm.s32 $0x400;
	s29 =	simm.s32 $0x5  }
0x3: {  	s30 =	simm.s32 $0x80;
	s31 =	simm.s32 $0x800;
	s24 =	smul.u32 $0x1900000, s11  }
0x4: {  	[smem:$0x7FF] =	sst s2;
	s1 =	sand.u32 $0x1, s1;
	s14 =	smul.u32 $0x320000, s11  }
0x5: {  	s3 =	sshll.u32 s11, $0x1;
	s5 =	sadd.s32 $0x800, s0;
	s26 =	smul.u32 $0xC80000, s1  }
0x6: {  	_ =	strace $0x80000047;
	s4 =	sor.u32 s1, s3;
	s15 =	smul.u32 $0x190000, s1  }
0x7: {  	s6 =	ssub.s32 $0x2, s1;
	s3 =	sadd.s32 $0x80800, s0;
	s7 =	smul.u32 $0x190000, s4  }
0x8: {  	s0 =	sadd.s32 $0x821A00, s0;
	s9 =	smul.u32 $0xC80000, s4;
	s4 =	sshll.u32 s4, $0xE  }
0x9: {  	s1 =	sshll.u32 s1, $0xE;
	s8 =	sshrl.u32 s6, $0x1;
	s12 =	sadd.s32 s5, s4  }
0xa: {  	s17 =	sadd.s32 s14, s0;
	s20 =	sadd.s32 $0x80, s12;
	[dreg:$0x9] =	wrdreg s12  }
0xb: {  	s6 =	ssub.s32 s6, s8;
	s18 =	sadd.s32 s0, s7;
	[dreg:$0xb] =	wrdreg s20  }
0xc: {  	s19 =	sshrl.u32 s9, $0x3;
	s10 =	sadd.s32 $0x100, s12;
	[dreg:$0xa] =	wrdreg s18  }
0xd: {  	s7 =	sadd.s32 s26, s24;
	s21 =	sadd.s32 $0xC80, s18;
	[dreg:$0x11] =	wrdreg s10  }
0xe: {  	s4 =	sadd.s32 s0, s19;
	s22 =	sadd.s32 $0x1900, s18;
	[dreg:$0xc] =	wrdreg s21  }
0xf: {  	s8 =	sadd.s32 $0x2580, s18;
	s18 =	sor.u32 $0x2BC00, s7;
	[dreg:$0xd] =	wrdreg s22  }
0x10: {  	s19 =	sor.u32 $0x25800, s7;
	s23 =	sadd.s32 $0x186A00, s4;
	[dreg:$0xf] =	wrdreg s8  }
0x11: {  	s26 =	sor.u32 $0x3E800, s7;
	s25 =	sadd.s32 $0x187680, s4;
	[dreg:$0xe] =	wrdreg s23  }
0x12: {  	s13 =	sadd.s32 $0x188300, s4;
	s10 =	sadd.s32 $0x188F80, s4;
	[dreg:$0x10] =	wrdreg s25  }
0x13: {  	s16 =	sadd.s32 $0x189C00, s4;
	s8 =	sadd.s32 s15, s17;
	[dreg:$0x12] =	wrdreg s13  }
0x14: {  	s9 =	sshrl.u32 s18, $0x3;
	s21 =	sshrl.u32 s19, $0x3;
	[dreg:$0x13] =	wrdreg s10  }
0x15: {  	s14 =	sshrl.u32 s26, $0x3;
	s15 =	sadd.s32 $0x18A880, s4;
	[dreg:$0x14] =	wrdreg s16  }
0x16: {  	s17 =	sadd.s32 $0x18B500, s4;
	s18 =	sadd.s32 $0x18C180, s4;
	[dreg:$0x2] =	wrdreg s8  }
0x17: {  	s19 =	sshll.u32 s11, $0xF;
	s26 =	sadd.s32 $0x3F80, s12;
	[dreg:$0x15] =	wrdreg s15  }
0x18: {  	s11 =	simm.s32 $0x17E00;
	s20 =	sadd.s32 s9, s0;
	[dreg:$0x16] =	wrdreg s17  }
0x19: {  	s22 =	sadd.s32 s21, s0;
	s23 =	sor.u32 $0x1F400, s7;
	[dreg:$0x17] =	wrdreg s18  }
0x1a: {  	s25 =	sor.u32 $0x44C00, s7;
	s16 =	sadd.s32 s14, s0;
	[dreg:$0x1f] =	wrdreg s26  }
0x1b: {  	s7 =	sor.u32 $0x38400, s7;
	s1 =	sor.u32 s1, s19;
	[dreg:$0x3] =	wrdreg s20  }
0x1c: {  	s21 =	sadd.s32 $0x18DA80, s4;
	s15 =	simm.s32 $0x6;
	[dreg:$0x4] =	wrdreg s22  }
0x1d: {  	s10 =	simm.s32 $0x2;
	s14 =	simm.s32 $0x4;
	[dreg:$0x7] =	wrdreg s16  }
0x1e: {  	s24 =	sshrl.u32 s23, $0x3;
	s20 =	sadd.s32 $0x18CE00, s4;
	[dreg:$0x19] =	wrdreg s21  }
0x1f: {  	s9 =	sshrl.u32 s25, $0x3;
	s22 =	sadd.s32 $0x18E700, s4;
	[dreg:$0x18] =	wrdreg s20  }
0x20: {  	s7 =	sshrl.u32 s7, $0x3;
	s4 =	sadd.s32 $0x18F380, s4;
	[dreg:$0x1a] =	wrdreg s22  }
0x21: {  	s1 =	sadd.s32 s1, s5;
	s23 =	smax.u32 s6, $0x1;
	[dreg:$0x1b] =	wrdreg s4  }
0x22: {  	s6 =	simm.s32 $0x11A00;
	s8 =	sadd.s32 s24, s0;
	[dreg:$0x1c] =	wrdreg s23  }
0x23: {  	s13 =	sadd.s32 s9, s0;
	s0 =	sadd.s32 s7, s0;
	[dreg:$0x5] =	wrdreg s8  }
0x24: {  	s24 =	sadd.s32 $0x200, s1;
	s25 =	sadd.s32 $0x180, s1;
	[dreg:$0x6] =	wrdreg s13  }
0x25: {  	s4 =	simm.s32 $0xE800;
	s1 =	simm.s32 $0x40;
	[dreg:$0x8] =	wrdreg s0  }
0x26: {  	s9 =	simm.s32 $0x3;
	s7 =	simm.s32 $0x0;
	[dreg:$0x1d] =	wrdreg s24  }
0x27: {  	[dreg:$0x1e] =	wrdreg s25;
	s0 =	simm.s32 $0x1;
	s25 =	simm.s32 $0x14C00  }
.LBB2_1:
0x28: {  	[smem:$0x7FD] =	sst s7  }
0x29: {  	s5 =	rddreg [dreg:$0x9]  }
0x2a: {  	[tilespmem:s2], [sflag:$0x5] =	stream.linear.gather [hbm4b:s5+s2], $0x400, $0x38;
	[tilespmem:$0x1C800] =	vst v63  }
0x2b: {  	s8 =	rddreg [dreg:$0xb]  }
0x2c: {  	[tilespmem:s28], [sflag:$0x6] =	stream.linear.gather [hbm4b:s8+s2], $0x400, $0x38;
	[tilespmem:$0x1C800] =	vst v63  }
0x2d: {  	_ =	swait.ge [sflag:s29], $0x400  }
0x2e: {  	[sflag:s29] =	ssyncset.done $0x0  }
0x2f: {  	[sflag:s29] =	ssyncadd.s32 $0xFFFFFC00  }
0x30: {  	[tilespmem:s31], [sflag:$0x1] =	stream.indirect.gather [hbm4b:s3+s30], $0x40, s2, s30, $0xb8;
	[tilespmem:$0x1C800] =	vst v63  }
0x31: {  	s8 =	simm.s32 $0x2800  }
0x32: {  	[tilespmem:s8], [sflag:$0x1] =	stream.indirect.gather [hbm4b:s3+s30], $0x40, s30, s30, $0xb8;
	[tilespmem:$0x1C800] =	vst v63  }
0x33: {  	s7 =	simm.s32 $0x100;
	s18 =	simm.s32 $0x4800  }
0x34: {  	[tilespmem:s18], [sflag:$0x1] =	stream.indirect.gather [hbm4b:s3+s30], $0x40, s7, s30, $0xb8;
	[tilespmem:$0x1C800] =	vst v63  }
0x35: {  	s19 =	simm.s32 $0x180;
	s20 =	simm.s32 $0x6800  }
0x36: {  	[tilespmem:s20], [sflag:$0x1] =	stream.indirect.gather [hbm4b:s3+s30], $0x40, s19, s30, $0xb8;
	[tilespmem:$0x1C800] =	vst v63  }
0x37: {  	s21 =	simm.s32 $0x200;
	s22 =	simm.s32 $0x8800  }
0x38: {  	[tilespmem:s22], [sflag:$0x1] =	stream.indirect.gather [hbm4b:s3+s30], $0x40, s21, s30, $0xb8;
	[tilespmem:$0x1C800] =	vst v63  }
0x39: {  	s23 =	simm.s32 $0x280;
	s16 =	simm.s32 $0xA800  }
0x3a: {  	[tilespmem:s16], [sflag:$0x1] =	stream.indirect.gather [hbm4b:s3+s30], $0x40, s23, s30, $0xb8;
	[tilespmem:$0x1C800] =	vst v63  }
0x3b: {  	s12 =	simm.s32 $0x300;
	s17 =	simm.s32 $0xC800  }
0x3c: {  	[tilespmem:s17], [sflag:$0x1] =	stream.indirect.gather [hbm4b:s3+s30], $0x40, s12, s30, $0xb8;
	[tilespmem:$0x1C800] =	vst v63  }
0x3d: {  	_ =	swait.ge [sflag:s15], $0x400  }
0x3e: {  	[sflag:s15] =	ssyncset.done $0x0  }
0x3f: {  	[sflag:s15] =	ssyncadd.s32 $0xFFFFFC00  }
0x40: {  	[tilespmem:s4], [sflag:$0x2] =	stream.indirect.gather [hbm4b:s3+s30], $0x40, s28, s30, $0xb8;
	[tilespmem:$0x1C800] =	vst v63  }
0x41: {  	s24 =	simm.s32 $0x480;
	s26 =	simm.s32 $0x10800  }
0x42: {  	[tilespmem:s26], [sflag:$0x2] =	stream.indirect.gather [hbm4b:s3+s30], $0x40, s24, s30, $0xb8;
	[tilespmem:$0x1C800] =	vst v63  }
0x43: {  	s13 =	simm.s32 $0x500;
	s12 =	simm.s32 $0x12800  }
0x44: {  	[tilespmem:s12], [sflag:$0x2] =	stream.indirect.gather [hbm4b:s3+s30], $0x40, s13, s30, $0xb8;
	[tilespmem:$0x1C800] =	vst v63  }
0x45: {  	s12 =	simm.s32 $0x580;
	s13 =	simm.s32 $0x14800  }
0x46: {  	[tilespmem:s13], [sflag:$0x2] =	stream.indirect.gather [hbm4b:s3+s30], $0x40, s12, s30, $0xb8;
	[tilespmem:$0x1C800] =	vst v63  }
0x47: {  	s12 =	simm.s32 $0x600;
	s13 =	simm.s32 $0x16800  }
0x48: {  	[tilespmem:s13], [sflag:$0x2] =	stream.indirect.gather [hbm4b:s3+s30], $0x40, s12, s30, $0xb8;
	[tilespmem:$0x1C800] =	vst v63  }
0x49: {  	s12 =	simm.s32 $0x680;
	s13 =	simm.s32 $0x18800  }
0x4a: {  	[tilespmem:s13], [sflag:$0x2] =	stream.indirect.gather [hbm4b:s3+s30], $0x40, s12, s30, $0xb8;
	[tilespmem:$0x1C800] =	vst v63  }
0x4b: {  	s12 =	simm.s32 $0x700;
	s13 =	simm.s32 $0x1A800  }
0x4c: {  	[tilespmem:s13], [sflag:$0x2] =	stream.indirect.gather [hbm4b:s3+s30], $0x40, s12, s30, $0xb8;
	[tilespmem:$0x1C800] =	vst v63  }
0x4d: {  	_ =	swait.ge [sflag:s0], $0xE000  }
0x4e: {  	[sflag:s0] =	ssyncset.done $0x0  }
0x4f: {  	s13 =	rddreg [dreg:$0xa];
	[sflag:s0] =	ssyncadd.s32 $0xFFFF2000  }
0x50: {  	[hbm4b:s13+s1] =	stream.strided.scatter [tilespmem:s31], [sflag:$0x3], $0x3200, s30, s1, $0x38;
	[tilespmem:$0x1C800] =	vst v63  }
0x51: {  	s12 =	rddreg [dreg:$0xc];
	s13 =	simm.s32 $0x3A00  }
0x52: {  	[hbm4b:s12+s1] =	stream.strided.scatter [tilespmem:s13], [sflag:$0x3], $0x3200, s30, s1, $0x38;
	[tilespmem:$0x1C800] =	vst v63  }
0x53: {  	s12 =	rddreg [dreg:$0xd];
	s13 =	simm.s32 $0x6C00  }
0x54: {  	[hbm4b:s12+s1] =	stream.strided.scatter [tilespmem:s13], [sflag:$0x3], $0x3200, s30, s1, $0x38;
	[tilespmem:$0x1C800] =	vst v63  }
0x55: {  	s5 =	rddreg [dreg:$0xf];
	s12 =	simm.s32 $0x9E00  }
0x56: {  	[hbm4b:s5+s1] =	stream.strided.scatter [tilespmem:s12], [sflag:$0x3], $0x3200, s30, s1, $0x38;
	[tilespmem:$0x1C800] =	vst v63  }
0x57: {  	s12 =	rddreg [dreg:$0x11]  }
0x58: {  	[tilespmem:s2], [sflag:$0x5] =	stream.linear.gather [hbm4b:s12+s2], $0x400, $0x38;
	[tilespmem:$0x1C800] =	vst v63  }
0x59: {  	_ =	swait.ge [sflag:s29], $0x400  }
0x5a: {  	[sflag:s29] =	ssyncset.done $0x0  }
0x5b: {  	[sflag:s29] =	ssyncadd.s32 $0xFFFFFC00  }
0x5c: {  	_ =	swait.ge [sflag:s9], $0xC800  }
0x5d: {  	[sflag:s9] =	ssyncset.done $0x0  }
0x5e: {  	[sflag:s9] =	ssyncadd.s32 $0xFFFF3800  }
0x5f: {  	[tilespmem:s31], [sflag:$0x1] =	stream.indirect.gather [hbm4b:s3+s30], $0x40, s2, s30, $0xb8;
	[tilespmem:$0x1C800] =	vst v63  }
0x60: {  	_ = 	snop  }
0x61: {  	[tilespmem:s8], [sflag:$0x1] =	stream.indirect.gather [hbm4b:s3+s30], $0x40, s30, s30, $0xb8;
	[tilespmem:$0x1C800] =	vst v63  }
0x62: {  	_ = 	snop  }
0x63: {  	[tilespmem:s18], [sflag:$0x1] =	stream.indirect.gather [hbm4b:s3+s30], $0x40, s7, s30, $0xb8;
	[tilespmem:$0x1C800] =	vst v63  }
0x64: {  	_ = 	snop  }
0x65: {  	[tilespmem:s20], [sflag:$0x1] =	stream.indirect.gather [hbm4b:s3+s30], $0x40, s19, s30, $0xb8;
	[tilespmem:$0x1C800] =	vst v63  }
0x66: {  	_ = 	snop  }
0x67: {  	[tilespmem:s22], [sflag:$0x1] =	stream.indirect.gather [hbm4b:s3+s30], $0x40, s21, s30, $0xb8;
	[tilespmem:$0x1C800] =	vst v63  }
0x68: {  	_ = 	snop  }
0x69: {  	[tilespmem:s16], [sflag:$0x1] =	stream.indirect.gather [hbm4b:s3+s30], $0x40, s23, s30, $0xb8;
	[tilespmem:$0x1C800] =	vst v63  }
0x6a: {  	s21 =	simm.s32 $0x300  }
0x6b: {  	[tilespmem:s17], [sflag:$0x1] =	stream.indirect.gather [hbm4b:s3+s30], $0x40, s21, s30, $0xb8;
	[tilespmem:$0x1C800] =	vst v63  }
0x6c: {  	_ =	swait.ge [sflag:s10], $0xE000  }
0x6d: {  	s22 =	rddreg [dreg:$0x2]  }
0x6e: {  	[sflag:s10] =	ssyncset.done $0x0;
	s5 =	sadd.s32 $0x0, s22  }
0x6f: {  	s23 =	rddreg [dreg:$0x5];
	[sflag:s10] =	ssyncadd.s32 $0xFFFF2000;
	s7 =	sadd.s32 $0x3200, s5  }
0x70: {  	[hbm4b:s7+s1] =	stream.strided.scatter [tilespmem:s4], [sflag:$0x4], $0x3200, s30, s1, $0x38;
	[tilespmem:$0x1C800] =	vst v63  }
0x71: {  	s8 =	rddreg [dreg:$0x4];
	s16 =	sadd.s32 $0x0, s23  }
0x72: {  	[hbm4b:s16+s1] =	stream.strided.scatter [tilespmem:s6], [sflag:$0x4], $0x3200, s30, s1, $0x38;
	[tilespmem:$0x1C800] =	vst v63  }
0x73: {  	s12 =	rddreg [dreg:$0x3];
	s19 =	sadd.s32 $0x0, s8  }
0x74: {  	[hbm4b:s19+s1] =	stream.strided.scatter [tilespmem:s25], [sflag:$0x4], $0x3200, s30, s1, $0x38;
	[tilespmem:$0x1C800] =	vst v63  }
0x75: {  	s20 =	sadd.s32 $0x0, s12  }
0x76: {  	[hbm4b:s20+s1] =	stream.strided.scatter [tilespmem:s11], [sflag:$0x4], $0x3200, s30, s1, $0x38;
	[tilespmem:$0x1C800] =	vst v63  }
0x77: {  	s19 =	rddreg [dreg:$0x1e]  }
0x78: {  	[tilespmem:s28], [sflag:$0x6] =	stream.linear.gather [hbm4b:s19+s2], $0x400, $0x38;
	[tilespmem:$0x1C800] =	vst v63  }
0x79: {  	_ =	swait.ge [sflag:s15], $0x400  }
0x7a: {  	[sflag:s15] =	ssyncset.done $0x0  }
0x7b: {  	[sflag:s15] =	ssyncadd.s32 $0xFFFFFC00  }
0x7c: {  	_ =	swait.ge [sflag:s14], $0xC800  }
0x7d: {  	[sflag:s14] =	ssyncset.done $0x0  }
0x7e: {  	[sflag:s14] =	ssyncadd.s32 $0xFFFF3800  }
0x7f: {  	[tilespmem:s4], [sflag:$0x2] =	stream.indirect.gather [hbm4b:s3+s30], $0x40, s28, s30, $0xb8;
	[tilespmem:$0x1C800] =	vst v63  }
0x80: {  	_ = 	snop  }
0x81: {  	[tilespmem:s26], [sflag:$0x2] =	stream.indirect.gather [hbm4b:s3+s30], $0x40, s24, s30, $0xb8;
	[tilespmem:$0x1C800] =	vst v63  }
0x82: {  	s21 =	simm.s32 $0x500;
	s22 =	simm.s32 $0x12800  }
0x83: {  	[tilespmem:s22], [sflag:$0x2] =	stream.indirect.gather [hbm4b:s3+s30], $0x40, s21, s30, $0xb8;
	[tilespmem:$0x1C800] =	vst v63  }
0x84: {  	s18 =	simm.s32 $0x18800;
	s23 =	simm.s32 $0x580;
	s24 =	simm.s32 $0x14800  }
0x85: {  	[tilespmem:s24], [sflag:$0x2] =	stream.indirect.gather [hbm4b:s3+s30], $0x40, s23, s30, $0xb8;
	[tilespmem:$0x1C800] =	vst v63  }
0x86: {  	s17 =	simm.s32 $0x680;
	s8 =	simm.s32 $0x600;
	s16 =	simm.s32 $0x16800  }
0x87: {  	[tilespmem:s16], [sflag:$0x2] =	stream.indirect.gather [hbm4b:s3+s30], $0x40, s8, s30, $0xb8;
	[tilespmem:$0x1C800] =	vst v63  }
0x88: {  	s12 =	simm.s32 $0x10800;
	s5 =	sadd.s32 $0x6400, s5;
	s7 =	simm.s32 $0x3A00  }
0x89: {  	[tilespmem:s18], [sflag:$0x2] =	stream.indirect.gather [hbm4b:s3+s30], $0x40, s17, s30, $0xb8;
	[tilespmem:$0x1C800] =	vst v63  }
0x8a: {  	s20 =	simm.s32 $0x700;
	s26 =	simm.s32 $0x12800;
	s21 =	simm.s32 $0x1A800  }
0x8b: {  	[tilespmem:s21], [sflag:$0x2] =	stream.indirect.gather [hbm4b:s3+s30], $0x40, s20, s30, $0xb8;
	[tilespmem:$0x1C800] =	vst v63  }
0x8c: {  	s24 =	simm.s32 $0x16800;
	s8 =	simm.s32 $0x6C00;
	_ =	swait.ge [sflag:s0], $0xE000  }
0x8d: {  	s17 =	sadd.s32 $0x100, s19;
	[sflag:s0] =	ssyncset.done $0x0;
	s22 =	rddreg [dreg:$0x8]  }
0x8e: {  	s20 =	simm.s32 $0x3A00;
	s23 =	rddreg [dreg:$0x7];
	[sflag:s0] =	ssyncadd.s32 $0xFFFF2000  }
0x8f: {  	[hbm4b:s5+s1] =	stream.strided.scatter [tilespmem:s31], [sflag:$0x3], $0x3200, s30, s1, $0x38;
	[tilespmem:$0x1C800] =	vst v63  }
0x90: {  	s18 =	rddreg [dreg:$0x6];
	s16 =	sadd.s32 $0x0, s22;
	s21 =	sadd.s32 $0x0, s23  }
0x91: {  	[hbm4b:s16+s1] =	stream.strided.scatter [tilespmem:s20], [sflag:$0x3], $0x3200, s30, s1, $0x38;
	[tilespmem:$0x1C800] =	vst v63  }
0x92: {  	s22 =	sadd.s32 $0x0, s18;
	s23 =	simm.s32 $0x9E00;
	s18 =	rddreg [dreg:$0x1d]  }
0x93: {  	[hbm4b:s21+s1] =	stream.strided.scatter [tilespmem:s13], [sflag:$0x3], $0x3200, s30, s1, $0x38;
	[tilespmem:$0x1C800] =	vst v63  }
0x94: {  	s5 =	simm.s32 $0x6400;
	s16 =	sadd.s32 $0x100, s18;
	s13 =	simm.s32 $0x9E00  }
0x95: {  	[hbm4b:s22+s1] =	stream.strided.scatter [tilespmem:s23], [sflag:$0x3], $0x3200, s30, s1, $0x38;
	[tilespmem:$0x1C800] =	vst v63  }
.LBB2_2:
0x96: {  	[tilespmem:s2], [sflag:$0x5] =	stream.linear.gather [hbm4b:s18+s2], $0x400, $0x38;
	[tilespmem:$0x1C800] =	vst v63  }
0x97: {  	_ =	swait.ge [sflag:s29], $0x400  }
0x98: {  	[sflag:s29] =	ssyncset.done $0x0  }
0x99: {  	[sflag:s29] =	ssyncadd.s32 $0xFFFFFC00  }
0x9a: {  	_ =	swait.ge [sflag:s9], $0xC800  }
0x9b: {  	[sflag:s9] =	ssyncset.done $0x0  }
0x9c: {  	[sflag:s9] =	ssyncadd.s32 $0xFFFF3800  }
0x9d: {  	[tilespmem:s31], [sflag:$0x1] =	stream.indirect.gather [hbm4b:s3+s30], $0x40, s2, s30, $0xb8;
	[tilespmem:$0x1C800] =	vst v63  }
0x9e: {  	s20 =	simm.s32 $0x2800  }
0x9f: {  	[tilespmem:s20], [sflag:$0x1] =	stream.indirect.gather [hbm4b:s3+s30], $0x40, s30, s30, $0xb8;
	[tilespmem:$0x1C800] =	vst v63  }
0xa0: {  	s23 =	simm.s32 $0x100;
	s21 =	simm.s32 $0x4800  }
0xa1: {  	[tilespmem:s21], [sflag:$0x1] =	stream.indirect.gather [hbm4b:s3+s30], $0x40, s23, s30, $0xb8;
	[tilespmem:$0x1C800] =	vst v63  }
0xa2: {  	s22 =	simm.s32 $0x180;
	s23 =	simm.s32 $0x6800  }
0xa3: {  	[tilespmem:s23], [sflag:$0x1] =	stream.indirect.gather [hbm4b:s3+s30], $0x40, s22, s30, $0xb8;
	[tilespmem:$0x1C800] =	vst v63  }
0xa4: {  	s22 =	simm.s32 $0x200;
	s23 =	simm.s32 $0x8800  }
0xa5: {  	[tilespmem:s23], [sflag:$0x1] =	stream.indirect.gather [hbm4b:s3+s30], $0x40, s22, s30, $0xb8;
	[tilespmem:$0x1C800] =	vst v63  }
0xa6: {  	s22 =	simm.s32 $0x280;
	s23 =	simm.s32 $0xA800  }
0xa7: {  	[tilespmem:s23], [sflag:$0x1] =	stream.indirect.gather [hbm4b:s3+s30], $0x40, s22, s30, $0xb8;
	[tilespmem:$0x1C800] =	vst v63  }
0xa8: {  	s22 =	simm.s32 $0x300;
	s23 =	simm.s32 $0xC800  }
0xa9: {  	[tilespmem:s23], [sflag:$0x1] =	stream.indirect.gather [hbm4b:s3+s30], $0x40, s22, s30, $0xb8;
	[tilespmem:$0x1C800] =	vst v63  }
0xaa: {  	_ =	swait.ge [sflag:s10], $0xE000  }
0xab: {  	s19 =	smov.u32 s5;
	s22 =	rddreg [dreg:$0x2]  }
0xac: {  	[sflag:s10] =	ssyncset.done $0x0;
	s20 =	sadd.s32 s19, s22  }
0xad: {  	s21 =	rddreg [dreg:$0x5];
	[sflag:s10] =	ssyncadd.s32 $0xFFFF2000;
	s22 =	sadd.s32 $0x3200, s20  }
0xae: {  	[hbm4b:s22+s1] =	stream.strided.scatter [tilespmem:s4], [sflag:$0x4], $0x3200, s30, s1, $0x38;
	[tilespmem:$0x1C800] =	vst v63  }
0xaf: {  	s23 =	rddreg [dreg:$0x4];
	s21 =	sadd.s32 s19, s21  }
0xb0: {  	[hbm4b:s21+s1] =	stream.strided.scatter [tilespmem:s6], [sflag:$0x4], $0x3200, s30, s1, $0x38;
	[tilespmem:$0x1C800] =	vst v63  }
0xb1: {  	s23 =	sadd.s32 s19, s23;
	s22 =	rddreg [dreg:$0x3]  }
0xb2: {  	[hbm4b:s23+s1] =	stream.strided.scatter [tilespmem:s25], [sflag:$0x4], $0x3200, s30, s1, $0x38;
	[tilespmem:$0x1C800] =	vst v63  }
0xb3: {  	s23 =	sadd.s32 s19, s22  }
0xb4: {  	[hbm4b:s23+s1] =	stream.strided.scatter [tilespmem:s11], [sflag:$0x4], $0x3200, s30, s1, $0x38;
	[tilespmem:$0x1C800] =	vst v63  }
0xb5: {  	_ = 	snop  }
0xb6: {  	[tilespmem:s28], [sflag:$0x6] =	stream.linear.gather [hbm4b:s17+s2], $0x400, $0x38;
	[tilespmem:$0x1C800] =	vst v63  }
0xb7: {  	_ =	swait.ge [sflag:s15], $0x400  }
0xb8: {  	[sflag:s15] =	ssyncset.done $0x0  }
0xb9: {  	[sflag:s15] =	ssyncadd.s32 $0xFFFFFC00  }
0xba: {  	_ =	swait.ge [sflag:s14], $0xC800  }
0xbb: {  	[sflag:s14] =	ssyncset.done $0x0  }
0xbc: {  	[sflag:s14] =	ssyncadd.s32 $0xFFFF3800  }
0xbd: {  	[tilespmem:s4], [sflag:$0x2] =	stream.indirect.gather [hbm4b:s3+s30], $0x40, s28, s30, $0xb8;
	[tilespmem:$0x1C800] =	vst v63  }
0xbe: {  	s22 =	simm.s32 $0x480  }
0xbf: {  	[tilespmem:s12], [sflag:$0x2] =	stream.indirect.gather [hbm4b:s3+s30], $0x40, s22, s30, $0xb8;
	[tilespmem:$0x1C800] =	vst v63  }
0xc0: {  	s23 =	simm.s32 $0x500  }
0xc1: {  	[tilespmem:s26], [sflag:$0x2] =	stream.indirect.gather [hbm4b:s3+s30], $0x40, s23, s30, $0xb8;
	[tilespmem:$0x1C800] =	vst v63  }
0xc2: {  	s22 =	simm.s32 $0x580;
	s23 =	simm.s32 $0x14800  }
0xc3: {  	[tilespmem:s23], [sflag:$0x2] =	stream.indirect.gather [hbm4b:s3+s30], $0x40, s22, s30, $0xb8;
	[tilespmem:$0x1C800] =	vst v63  }
0xc4: {  	s23 =	simm.s32 $0x600  }
0xc5: {  	[tilespmem:s24], [sflag:$0x2] =	stream.indirect.gather [hbm4b:s3+s30], $0x40, s23, s30, $0xb8;
	[tilespmem:$0x1C800] =	vst v63  }
0xc6: {  	s22 =	simm.s32 $0x680;
	s23 =	simm.s32 $0x18800  }
0xc7: {  	[tilespmem:s23], [sflag:$0x2] =	stream.indirect.gather [hbm4b:s3+s30], $0x40, s22, s30, $0xb8;
	[tilespmem:$0x1C800] =	vst v63  }
0xc8: {  	s22 =	simm.s32 $0x700;
	s23 =	simm.s32 $0x1A800  }
0xc9: {  	[tilespmem:s23], [sflag:$0x2] =	stream.indirect.gather [hbm4b:s3+s30], $0x40, s22, s30, $0xb8;
	[tilespmem:$0x1C800] =	vst v63  }
0xca: {  	_ =	swait.ge [sflag:s0], $0xE000  }
0xcb: {  	[sflag:s0] =	ssyncset.done $0x0  }
0xcc: {  	s20 =	sadd.s32 $0x6400, s20;
	s23 =	rddreg [dreg:$0x8];
	[sflag:s0] =	ssyncadd.s32 $0xFFFF2000  }
0xcd: {  	[hbm4b:s20+s1] =	stream.strided.scatter [tilespmem:s31], [sflag:$0x3], $0x3200, s30, s1, $0x38;
	[tilespmem:$0x1C800] =	vst v63  }
0xce: {  	p0 =	sne.s32 s5, $0x17D400;
	s23 =	sadd.s32 s19, s23  }
0xcf: {  	[hbm4b:s23+s1] =	stream.strided.scatter [tilespmem:s7], [sflag:$0x3], $0x3200, s30, s1, $0x38;
	[tilespmem:$0x1C800] =	vst v63  }
.Ltmp0:
0xd0: {  	s18 =	smov.u32 s16;
	s22 =	rddreg [dreg:$0x7];
	(pc) =	sbr.rel @p0 .LBB2_2-.Ltmp0, $4  }
0xd1: {  	s5 =	sadd.s32 $0x6400, s5;
	s21 =	rddreg [dreg:$0x6];
	s23 =	sadd.s32 s19, s22  }
0xd2: {  	[hbm4b:s23+s1] =	stream.strided.scatter [tilespmem:s8], [sflag:$0x3], $0x3200, s30, s1, $0x38;
	[tilespmem:$0x1C800] =	vst v63  }
0xd3: {  	s16 =	sadd.s32 $0x100, s16;
	s17 =	sadd.s32 $0x100, s17;
	s19 =	sadd.s32 s19, s21  }
0xd4: {  	[hbm4b:s19+s1] =	stream.strided.scatter [tilespmem:s13], [sflag:$0x3], $0x3200, s30, s1, $0x38;
	[tilespmem:$0x1C800] =	vst v63  }
0xd5: {  	[tilespmem:s2], [sflag:$0x5] =	stream.linear.gather [hbm4b:s18+s2], $0x400, $0x38;
	[tilespmem:$0x1C800] =	vst v63  }
0xd6: {  	_ =	swait.ge [sflag:s29], $0x400  }
0xd7: {  	[sflag:s29] =	ssyncset.done $0x0  }
0xd8: {  	[sflag:s29] =	ssyncadd.s32 $0xFFFFFC00  }
0xd9: {  	_ =	swait.ge [sflag:s9], $0xC800  }
0xda: {  	[sflag:s9] =	ssyncset.done $0x0  }
0xdb: {  	[sflag:s9] =	ssyncadd.s32 $0xFFFF3800  }
0xdc: {  	[tilespmem:s31], [sflag:$0x1] =	stream.indirect.gather [hbm4b:s3+s30], $0x40, s2, s30, $0xb8;
	[tilespmem:$0x1C800] =	vst v63  }
0xdd: {  	s5 =	simm.s32 $0x2800  }
0xde: {  	[tilespmem:s5], [sflag:$0x1] =	stream.indirect.gather [hbm4b:s3+s30], $0x40, s30, s30, $0xb8;
	[tilespmem:$0x1C800] =	vst v63  }
0xdf: {  	s23 =	simm.s32 $0x100;
	s16 =	simm.s32 $0x4800  }
0xe0: {  	[tilespmem:s16], [sflag:$0x1] =	stream.indirect.gather [hbm4b:s3+s30], $0x40, s23, s30, $0xb8;
	[tilespmem:$0x1C800] =	vst v63  }
0xe1: {  	s25 =	simm.s32 $0x180;
	s6 =	simm.s32 $0x6800  }
0xe2: {  	[tilespmem:s6], [sflag:$0x1] =	stream.indirect.gather [hbm4b:s3+s30], $0x40, s25, s30, $0xb8;
	[tilespmem:$0x1C800] =	vst v63  }
0xe3: {  	s11 =	simm.s32 $0x200;
	s16 =	simm.s32 $0x8800  }
0xe4: {  	[tilespmem:s16], [sflag:$0x1] =	stream.indirect.gather [hbm4b:s3+s30], $0x40, s11, s30, $0xb8;
	[tilespmem:$0x1C800] =	vst v63  }
0xe5: {  	s17 =	simm.s32 $0x280;
	s18 =	simm.s32 $0xA800  }
0xe6: {  	[tilespmem:s18], [sflag:$0x1] =	stream.indirect.gather [hbm4b:s3+s30], $0x40, s17, s30, $0xb8;
	[tilespmem:$0x1C800] =	vst v63  }
0xe7: {  	s19 =	simm.s32 $0x300;
	s20 =	simm.s32 $0xC800  }
0xe8: {  	[tilespmem:s20], [sflag:$0x1] =	stream.indirect.gather [hbm4b:s3+s30], $0x40, s19, s30, $0xb8;
	[tilespmem:$0x1C800] =	vst v63  }
0xe9: {  	_ =	swait.ge [sflag:s10], $0xE000  }
0xea: {  	[sflag:s10] =	ssyncset.done $0x0  }
0xeb: {  	s21 =	rddreg [dreg:$0xe];
	[sflag:s10] =	ssyncadd.s32 $0xFFFF2000  }
0xec: {  	[hbm4b:s21+s1] =	stream.strided.scatter [tilespmem:s4], [sflag:$0x4], $0x3200, s30, s1, $0x38;
	[tilespmem:$0x1C800] =	vst v63  }
0xed: {  	s16 =	simm.s32 $0x11A00;
	s22 =	rddreg [dreg:$0x10]  }
0xee: {  	[hbm4b:s22+s1] =	stream.strided.scatter [tilespmem:s16], [sflag:$0x4], $0x3200, s30, s1, $0x38;
	[tilespmem:$0x1C800] =	vst v63  }
0xef: {  	s17 =	simm.s32 $0x14C00;
	s23 =	rddreg [dreg:$0x12]  }
0xf0: {  	[hbm4b:s23+s1] =	stream.strided.scatter [tilespmem:s17], [sflag:$0x4], $0x3200, s30, s1, $0x38;
	[tilespmem:$0x1C800] =	vst v63  }
0xf1: {  	s18 =	simm.s32 $0x17E00;
	s25 =	rddreg [dreg:$0x13]  }
0xf2: {  	[hbm4b:s25+s1] =	stream.strided.scatter [tilespmem:s18], [sflag:$0x4], $0x3200, s30, s1, $0x38;
	[tilespmem:$0x1C800] =	vst v63  }
0xf3: {  	s6 =	rddreg [dreg:$0x1f]  }
0xf4: {  	[tilespmem:s28], [sflag:$0x6] =	stream.linear.gather [hbm4b:s6+s2], $0x400, $0x38;
	[tilespmem:$0x1C800] =	vst v63  }
0xf5: {  	_ =	swait.ge [sflag:s15], $0x400  }
0xf6: {  	[sflag:s15] =	ssyncset.done $0x0  }
0xf7: {  	[sflag:s15] =	ssyncadd.s32 $0xFFFFFC00  }
0xf8: {  	_ =	swait.ge [sflag:s14], $0xC800  }
0xf9: {  	[sflag:s14] =	ssyncset.done $0x0  }
0xfa: {  	[sflag:s14] =	ssyncadd.s32 $0xFFFF3800  }
0xfb: {  	[tilespmem:s4], [sflag:$0x2] =	stream.indirect.gather [hbm4b:s3+s30], $0x40, s28, s30, $0xb8;
	[tilespmem:$0x1C800] =	vst v63  }
0xfc: {  	s11 =	simm.s32 $0x480  }
0xfd: {  	[tilespmem:s12], [sflag:$0x2] =	stream.indirect.gather [hbm4b:s3+s30], $0x40, s11, s30, $0xb8;
	[tilespmem:$0x1C800] =	vst v63  }
0xfe: {  	s19 =	simm.s32 $0x500  }
0xff: {  	[tilespmem:s26], [sflag:$0x2] =	stream.indirect.gather [hbm4b:s3+s30], $0x40, s19, s30, $0xb8;
	[tilespmem:$0x1C800] =	vst v63  }
0x100: {  	s20 =	simm.s32 $0x580;
	s21 =	simm.s32 $0x14800  }
0x101: {  	[tilespmem:s21], [sflag:$0x2] =	stream.indirect.gather [hbm4b:s3+s30], $0x40, s20, s30, $0xb8;
	[tilespmem:$0x1C800] =	vst v63  }
0x102: {  	s22 =	simm.s32 $0x600  }
0x103: {  	[tilespmem:s24], [sflag:$0x2] =	stream.indirect.gather [hbm4b:s3+s30], $0x40, s22, s30, $0xb8;
	[tilespmem:$0x1C800] =	vst v63  }
0x104: {  	s23 =	simm.s32 $0x680;
	s24 =	simm.s32 $0x18800  }
0x105: {  	[tilespmem:s24], [sflag:$0x2] =	stream.indirect.gather [hbm4b:s3+s30], $0x40, s23, s30, $0xb8;
	[tilespmem:$0x1C800] =	vst v63  }
0x106: {  	s25 =	simm.s32 $0x700;
	s26 =	simm.s32 $0x1A800  }
0x107: {  	[tilespmem:s26], [sflag:$0x2] =	stream.indirect.gather [hbm4b:s3+s30], $0x40, s25, s30, $0xb8;
	[tilespmem:$0x1C800] =	vst v63  }
0x108: {  	_ =	swait.ge [sflag:s0], $0xE000  }
0x109: {  	[sflag:s0] =	ssyncset.done $0x0  }
0x10a: {  	s6 =	rddreg [dreg:$0x14];
	[sflag:s0] =	ssyncadd.s32 $0xFFFF2000  }
0x10b: {  	[hbm4b:s6+s1] =	stream.strided.scatter [tilespmem:s31], [sflag:$0x3], $0x3200, s30, s1, $0x38;
	[tilespmem:$0x1C800] =	vst v63  }
0x10c: {  	s11 =	rddreg [dreg:$0x15]  }
0x10d: {  	[hbm4b:s11+s1] =	stream.strided.scatter [tilespmem:s7], [sflag:$0x3], $0x3200, s30, s1, $0x38;
	[tilespmem:$0x1C800] =	vst v63  }
0x10e: {  	s12 =	rddreg [dreg:$0x16]  }
0x10f: {  	[hbm4b:s12+s1] =	stream.strided.scatter [tilespmem:s8], [sflag:$0x3], $0x3200, s30, s1, $0x38;
	[tilespmem:$0x1C800] =	vst v63  }
0x110: {  	s19 =	rddreg [dreg:$0x17]  }
0x111: {  	[hbm4b:s19+s1] =	stream.strided.scatter [tilespmem:s13], [sflag:$0x3], $0x3200, s30, s1, $0x38;
	[tilespmem:$0x1C800] =	vst v63  }
0x112: {  	_ =	swait.ge [sflag:s10], $0xE000  }
0x113: {  	[sflag:s10] =	ssyncset.done $0x0  }
0x114: {  	s20 =	rddreg [dreg:$0x18];
	[sflag:s10] =	ssyncadd.s32 $0xFFFF2000  }
0x115: {  	[hbm4b:s20+s1] =	stream.strided.scatter [tilespmem:s4], [sflag:$0x4], $0x3200, s30, s1, $0x38;
	[tilespmem:$0x1C800] =	vst v63  }
0x116: {  	s21 =	rddreg [dreg:$0x19]  }
0x117: {  	[hbm4b:s21+s1] =	stream.strided.scatter [tilespmem:s16], [sflag:$0x4], $0x3200, s30, s1, $0x38;
	[tilespmem:$0x1C800] =	vst v63  }
0x118: {  	s22 =	rddreg [dreg:$0x1a]  }
0x119: {  	[hbm4b:s22+s1] =	stream.strided.scatter [tilespmem:s17], [sflag:$0x4], $0x3200, s30, s1, $0x38;
	[tilespmem:$0x1C800] =	vst v63  }
0x11a: {  	s23 =	rddreg [dreg:$0x1b]  }
0x11b: {  	[hbm4b:s23+s1] =	stream.strided.scatter [tilespmem:s18], [sflag:$0x4], $0x3200, s30, s1, $0x38;
	[tilespmem:$0x1C800] =	vst v63  }
0x11c: {  	_ =	swait.ge [sflag:s9], $0xC800  }
0x11d: {  	[sflag:s9] =	ssyncset.done $0x0  }
0x11e: {  	[sflag:s9] =	ssyncadd.s32 $0xFFFF3800  }
0x11f: {  	_ =	swait.ge [sflag:s14], $0xC800  }
0x120: {  	s24 =	sld [smem:$0x7FD];
	_ =	sdelay $0x2  }
0x121: {  	s26 =	rddreg [dreg:$0x1c];
	s7 =	sadd.s32 $0x1, s24  }
0x122: {  	p0 =	sne.s32 s7, s26  }
.Ltmp1:
0x123: {  	_ = 	snop;
	(pc) =	sbr.rel @p0 .LBB2_1-.Ltmp1, $3  }
0x124: {  	_ =	sdelay $0x1  }
0x125: {  	s25 =	simm.s32 $0x14C00;
	[sflag:s14] =	ssyncset.done $0x0  }
0x126: {  	s6 =	simm.s32 $0x11A00;
	s11 =	simm.s32 $0x17E00;
	[sflag:s14] =	ssyncadd.s32 $0xFFFF3800  }
0x127: {  	_ =	sfence.sel $0x180000  }
0x128: {  	[bflag:$0x0] =	sbarrier.arrive $0xFFFF  }
0x129: {  	_ =	strace $0x90000047  }
0x12a: {  	s0 =	stileid.u32;
	[bflag:$0x2] =	sbarrier.arrive $0xFFFF  }
0x12b: {  	p0 =	sne.s32 s0, $0x0;
	s0 =	rddreg [dreg:$0x1]  }
0x12c: {  	s0 =	sadd.s32 @!p0 $0x100000, s0  }
0x12d: {  	[sflag:s0] =	ssyncadd.tile.s32 @!p0 $0x1;
	_ =	shalt  }
.Lfunc_end2:
_tile_overlayer_lowered:
.L_overlay_start_2:
0x12e: {  	(tag) =	ssettag $0x2  }
0x12f: {  	s0 =	rddreg [dreg:$0x0];
	s2 =	stileid.u32  }
0x130: {  	s1 =	rddreg [dreg:$0x1];
	p0 =	sne.s32 s2, $0x0  }
0x131: {  	s3 =	rddreg [dreg:$0x2];
	[bflag:$0x3] =	sbarrier.arrive $0xFFFF;
	s2 =	simm.s32 @!p0 $0x1C07  }
0x132: {  	[timem:s3], [sflag:s2] =	dma.local @!p0 [hbm:s0], s1  }
0x133: {  	s0 =	simm.s32 @!p0 $0x7  }
0x134: {  	_ =	swait.ge @!p0 [sflag:s0], s1  }
0x135: {  	s1 =	ssub.s32 @!p0 $0x0, s1;
	[sflag:s0] =	ssyncset.done @!p0 $0x0  }
0x136: {  	[sflag:s0] =	ssyncadd.s32 @!p0 s1  }
0x137: {  	[bflag:$0x3] =	sbarrier.arrive $0xFFFF  }
0x138: {  	_ =	shalt  }

// kernel: sparse-core-data-format-call.cloned.1.call-start
scs
called_computation_lowered:
.L_overlay_start_0:
0x0: {  	s2 =	sld [smem:$0x3FD9]  }
0x1: {  	s3 =	sld [smem:$0x3FFE];
	_ =	sdelay $0x1  }
0x2: {  	s1 =	srdreg.scid  }
0x3: {  	s0 =	sand.u32 $0x1, s1  }
0x4: {  	s18 =	sshll.u32 s0, $0xA;
	s2 =	sadd.s32 s3, s2  }
0x5: {  	s2 =	sadd.s32 s2, s18  }
0x6: {  	[smem:$0x3FC6] =	sst s2  }
0x7: {  	_ = 	snop  }
0x8: {  	s2 =	sld [smem:$0x3FD0];
	(tm) =	ssettm $0x1  }
0x9: {  	s19 =	sld [smem:$0x3FFB];
	_ =	sdelay $0x3  }
0xa: {  	_ =	strace s19  }
0xb: {  	s3 =	sld [smem:$0x3FFC];
	_ =	sdelay $0x3  }
0xc: {  	_ =	strace s3  }
0xd: {  	s3 =	sld [smem:$0x3FFD];
	_ =	sdelay $0x3  }
0xe: {  	_ =	strace s3  }
0xf: {  	_ =	strace $0x8FFFFFFF  }
0x10: {  	s20 =	sld [smem:$0x3FDB];
	_ =	sdelay $0x1  }
0x11: {  	s4 =	simm.s32 $_scs_section_size  }
0x12: {  	s5 =	simm.s32 $_size__tile_overlayer_lowered;
	s6 =	simm.s32 $_tile_overlayer_lowered  }
0x13: {  	s23 =	simm.s32 $0x1BFF;
	s22 =	sshll.u32 s6, $0x1;
	s3 =	sadd.s32 s4, s20  }
0x14: {  	s7 =	simm.s32 $0x0;
	s21 =	sshll.u32 s5, $0x1;
	s5 =	sadd.s32 s22, s3  }
0x15: {  	[timem:s7], [sflag:s23] =	dma.local [hbm:s5], s21  }
0x16: {  	_ =	swait.ge [sflag:s23], s21  }
0x17: {  	s4 =	ssub.s32 $0x0, s21;
	[sflag:s23] =	ssyncset.done $0x0  }
0x18: {  	[sflag:s23] =	ssyncadd.s32 s4;
	_ =	sdelay $0x1  }
0x19: {  	s24 =	simm.s32 $0x1B8B  }
0x1a: {  	_ =	swait.ge [sflag:s24], $0x1  }
0x1b: {  	[sflag:s24] =	ssyncset.done $0x0  }
0x1c: {  	s26 =	simm.s32 $0x1B8E;
	s25 =	sld [smem:$0x3FFE];
	[sflag:s24] =	ssyncadd.s32 $0xFFFFFFFF  }
0x1d: {  	s27 =	simm.s32 $execute0_lowered;
	[smem:$0x3FD2] =	sst s26  }
0x1e: {  	s5 =	sshll.u32 s27, $0x1;
	_ =	strace $0x80000049;
	[dreg:$0x1] =	wrdreg $0xFFFFFFFF  }
0x1f: {  	s28 =	simm.s32 $_size_execute0_lowered;
	s3 =	sadd.s32 s3, s5;
	[dreg:$0x0] =	wrdreg $0x0  }
0x20: {  	s5 =	sshll.u32 s28, $0x1;
	[dreg:$0x2] =	wrdreg s3  }
0x21: {  	[dreg:$0x3] =	wrdreg s5  }
0x22: {  	[dreg:$0x4] =	wrdreg $0xC0  }
0x23: {  	_ =	task [dreg:s7], $0x5FFFF  }
0x24: {  	[dreg:$0x1] =	wrdreg $0xFFFFFFFF  }
0x25: {  	[dreg:$0x0] =	wrdreg $0x60  }
0x26: {  	[dreg:$0x2] =	wrdreg s25  }
0x27: {  	[dreg:$0x3] =	wrdreg s2  }
0x28: {  	[dreg:$0x4] =	wrdreg $0x9  }
0x29: {  	_ =	task.clear_ibuf [dreg:s7], $0x5FFFF;
	_ =	strace $0x90000049  }
0x2a: {  	s29 =	simm.s32 $0x9;
	_ =	strace $0x8000004B  }
0x2b: {  	_ =	swait.ge [sflag:s29], $0x1  }
0x2c: {  	[sflag:s29] =	ssyncadd.s32 $0xFFFFFFFF  }
0x2d: {  	_ =	strace $0x9000004B  }
0x2e: {  	_ =	sfence  }
0x2f: {  	s30 =	sld [smem:$0x0];
	_ =	sdelay $0x2  }
0x30: {  	s31 =	sshll.u32 s1, $0xD;
	s1 =	sshrl.u32 s1, $0x2  }
0x31: {  	s3 =	sand.u32 $0x4000, s31;
	s1 =	sadd.s32 s1, s30  }
0x32: {  	s0 =	sor.u32 s3, s0;
	s1 =	sshll.u32 s1, $0x11  }
0x33: {  	s0 =	sor.u32 s1, s0  }
0x34: {  	s0 =	sadd.s32 $0x8F2B, s0  }
0x35: {  	[sflag:s0] =	ssyncadd.remote.s32 $0x1  }
0x36: {  	_ =	sfence.sel $0xFFFF  }
0x37: {  	[dreg:$0x0] =	wrdreg $0xFFFFFFFF;
	(pc) =	sbr.abs _section_cstart, $3  }
0x38: {  	[dreg:$0x1] =	wrdreg $0xFFFFFFFF  }
0x39: {  	_ =	task.clear_ibuf [dreg:s7], $0x2FFFF;
	_ =	strace $0x9FFFFFFF  }
0x3a: {  	(tm) =	ssettm $0x7FFFFFFF  }
0x3b: {  	_ =	shalt  }
tec
execute0_lowered:
.L_overlay_start_1:
0x0: {  	(tag) =	ssettag $0x1  }
0x1: {  	s0 =	srdreg.scid  }
0x2: {  	s1 =	sshll.u32 s0, $0x4  }
0x3: {  	s0 =	stileid.u32;
	s1 =	sand.u32 $0x10, s1  }
0x4: {  	s1 =	sor.u32 s0, s1  }
0x5: {  	s6 =	rddreg [dreg:$0x0];
	s4 =	simm.s32 $0x1;
	s2 =	sshll.u32 s1, $0x7  }
0x6: {  	s7 =	simm.s32 $0x2;
	s12 =	simm.s32 $0x0;
	s1 =	ssub.s32 $0x4000, s2  }
0x7: {  	s8 =	simm.s32 $0x20000;
	s13 =	simm.s32 $0x0;
	s3 =	sand.u32 $0xF80, s1  }
0x8: {  	s9 =	simm.s32 $0x0;
	s5 =	sshrl.u32 s1, $0xC;
	p0 =	sne.s32 s3, $0x0  }
.Ltmp0:
0x9: {  	s1 =	rddreg [dreg:$0x2];
	s4 =	simm.s32 @!p0 $0x0;
	(pc) =	sbr.rel .LBB1_1-.Ltmp0, $4  }
0xa: {  	s11 =	simm.s32 $0x0;
	s3 =	rddreg [dreg:$0x1];
	s5 =	sadd.s32 s4, s5  }
0xb: {  	_ =	strace $0x8000004A;
	s4 =	simm.s32 $0x1;
	s5 =	smul.u32 $0xC8, s5  }
0xc: {  	s6 =	sadd.s32 $0x821A00, s6;
	s10 =	smov.u32 s2;
	[sflag:s4] =	ssyncpa.u1 $0x0  }
0xd: {  	p0 =	por $0x0, $0x0;
	[sflag:s7] =	ssyncpa.u1 $0x0;
	s7 =	sor.u32 $0x1, s5  }
.LBB1_4:
0xe: {  	s16 =	sshll.u32 s13, $0x3;
	s17 =	sand.u32 $0x78, s13  }
0xf: {  	s30 =	sand.u32 $0x1F800, s13;
	s12 =	sshll.u32 s12, $0x11;
	s16 =	sand.u32 $0x3C00, s16  }
0x10: {  	[tilespmem:s15+$0x810 ss:$0x81] =	vst.msk $0xffff, v2;
	s31 =	sand.u32 $0x7, s13;
	s16 =	sor.u32 s17, s16;
	s17 =	sadd.s32 s3, s30  }
0x11: {  	[tilespmem:s15+$0x1020 ss:$0x81] =	vst.msk $0xffff, v0;
	s13 =	sshll.u32 s31, $0x12;
	s12 =	sadd.s32 s12, s17;
	s16 =	sshrl.u32 s16, $0x3  }
0x12: {  	[tilespmem:s15+$0x0 ss:$0x81] =	vst.msk $0xffff, v1;
	s13 =	sor.u32 $0x400, s13;
	s12 =	sadd.s32 s16, s12  }
0x13: {  	[hbm4b:s12+s13] =	stream.strided.scatter [tilespmem:s14], [sflag:$0x2], $0x2000, s8, s13, $0x20;
	[tilespmem:$0x8080] =	vst v63  }
.LBB1_5:
0x14: {  	s14 =	sadd.s32 $0x1, s9  }
0x15: {  	s12 =	sadd.s32 $0x1000, s10;
	s16 =	smov.u32 s10;
	p2 =	sgt.s32 s14, $0xC7  }
0x16: {  	s16 =	smov.u32 @p2 s12  }
0x17: {  	s14 =	simm.s32 @p2 $0x0;
	p2 =	sgt.s32 s16, $0x3FFF  }
0x18: {  	s16 =	smov.u32 @p2 s2;
	p2 =	sne.s32 s11, s7  }
.Ltmp1:
0x19: {  	p1 =	slt.u32 s11, $0x2;
	(pc) =	sbr.rel @!p2 .LBB1_6-.Ltmp1, $4  }
0x1a: {  	s15 =	simm.s32 @!p1 $0x2  }
0x1b: {  	s13 =	smov.u32 s10;
	p0 =	por !p0, !p0;
	_ =	swait.ge @!p1 [sflag:s15], $0x2000  }
0x1c: {  	s12 =	smov.u32 s9;
	[sflag:s15] =	ssyncset.done @!p1 $0x0;
	s9 =	smov.u32 s14  }
0x1d: {  	s11 =	sadd.s32 $0x1, s11;
	[sflag:s15] =	ssyncadd.s32 @!p1 $0xFFFFE000;
	s10 =	smov.u32 s16  }
.LBB1_1:
0x1e: {  	p1 =	sge.u32 s11, s5  }
0x1f: {  	s14 =	sand.u32 @!p1 $0x1FFFFFF, s9  }
0x20: {  	s15 =	smulhi.u32 @!p1 $0x147AE15, s14;
	_ =	sdelay $0x1  }
0x21: {  	s15 =	smul.u32 @!p1 $0xC8, s15  }
0x22: {  	s16 =	sxor.u32 @!p1 $0xFFFFFFFF, s11;
	s17 =	smul.u32 @!p1 $0xC80, s10  }
0x23: {  	s31 =	sadd.s32 $0xFFFFFFFF, s11;
	s16 =	sshll.u32 @!p1 s16, $0xD;
	s14 =	ssub.s32 @!p1 s14, s15  }
0x24: {  	s15 =	sand.u32 @!p1 $0x2000, s16;
	s16 =	sadd.s32 @!p1 s6, s17;
	s14 =	sshll.u32 @!p1 s14, $0x4  }
0x25: {  	s17 =	simm.s32 @!p1 $0x6400;
	s14 =	sadd.s32 @!p1 s14, s16;
	s16 =	simm.s32 @!p1 $0x40  }
0x26: {  	[tilespmem:s15], [sflag:$0x1] =	stream.strided.gather @!p1 [hbm4b:s14+s16], $0x2000, s17, s16, $0x38;
	[tilespmem:$0x8080] =	vst v63  }
0x27: {  	p1 =	sge.u32 s31, s5  }
.Ltmp2:
0x28: {  	_ = 	snop;
	(pc) =	sbr.rel @p1 .LBB1_5-.Ltmp2, $1  }
0x29: {  	_ =	sdelay $0x3  }
0x2a: {  	s14 =	simm.s32 $0x1  }
0x2b: {  	_ =	swait.ge [sflag:s4], $0x2000;
	s14 =	simm.s32 @!p0 $0x0  }
0x2c: {  	[sflag:s4] =	ssyncset.done $0x0;
	s15 =	sshll.u32 s14, $0xD  }
0x2d: {  	[sflag:s4] =	ssyncadd.s32 $0xFFFFE000;
	s18 =	sor.u32 $0x20, s15  }
0x2e: {  	s14 =	smul.u32 $0x8100, s14;
	v3 =	vld [tilespmem:s18+$0x10]  }
0x2f: {  	s30 =	sand.u32 $0x1, s11;
	v2 =	vld [tilespmem:s18+$0xFFFFFFF0]  }
0x30: {  	s15 =	smul.u32 $0x8100, s30;
	s14 =	sshrl.u32 s14, $0x2;
	v0 =	vld [tilespmem:s18+$0x0]  }
0x31: {  	v1 =	vld [tilespmem:s18+$0xFFFFFFE0];
	s16 =	sor.u32 $0x4000, s14  }
0x32: {  	s31 =	sshrl.u32 s15, $0x2;
	s15 =	sadd.s32 $0x0, s16  }
0x33: {  	s17 =	simm.s32 $0x4;
	s18 =	sadd.s32 $0x40, s18;
	s14 =	sor.u32 $0x4000, s31;
	[tilespmem:s15+$0x1830 ss:$0x81] =	vst.msk $0xffff, v3  }
.LBB1_3:
0x34: {  	v3 =	vld [tilespmem:s18+$0x10];
	p1 =	sne.s32 s17, $0x1FC;
	[tilespmem:s15+$0x810 ss:$0x81] =	vst.msk $0xffff, v2;
	s19 =	smov.u32 s17;
	s17 =	sadd.s32 $0x4, s17  }
.Ltmp3:
0x35: {  	v2 =	vld [tilespmem:s18+$0xFFFFFFF0];
	[tilespmem:s15+$0x1020 ss:$0x81] =	vst.msk $0xffff, v0;
	(pc) =	sbr.rel @p1 .LBB1_3-.Ltmp3, $4  }
0x36: {  	v0 =	vld [tilespmem:s18+$0x0];
	[tilespmem:s15+$0x0 ss:$0x81] =	vst.msk $0xffff, v1  }
0x37: {  	s15 =	sshra.s32 s19, $0x2;
	v1 =	vld [tilespmem:s18+$0xFFFFFFE0]  }
0x38: {  	s15 =	sadd.s32 s15, s16  }
0x39: {  	s18 =	sadd.s32 $0x40, s18;
	[tilespmem:s15+$0x1830 ss:$0x81] =	vst.msk $0xffff, v3  }
.Ltmp4:
0x3a: {  	_ = 	snop;
	(pc) =	sbr.rel .LBB1_4-.Ltmp4, $1  }
0x3b: {  	_ =	sdelay $0x3  }
.LBB1_6:
0x3c: {  	_ =	sfence.sel $0x180000  }
0x3d: {  	s2 =	simm.s32 $0x1;
	[bflag:$0x0] =	sbarrier.arrive $0xFFFF  }
0x3e: {  	s31 =	simm.s32 $0x2;
	[sflag:s2] =	ssyncpa.u1 $0x1  }
0x3f: {  	[sflag:s31] =	ssyncpa.u1 $0x1  }
0x40: {  	p0 =	sne.s32 s0, $0x0;
	_ =	strace $0x9000004A  }
0x41: {  	s0 =	sadd.s32 @!p0 $0x100000, s1;
	[bflag:$0x2] =	sbarrier.arrive $0xFFFF  }
0x42: {  	[sflag:s0] =	ssyncadd.tile.s32 @!p0 $0x1;
	_ =	shalt  }
.Lfunc_end1:
_tile_overlayer_lowered:
.L_overlay_start_2:
0x43: {  	(tag) =	ssettag $0x2  }
0x44: {  	s0 =	rddreg [dreg:$0x0];
	s2 =	stileid.u32  }
0x45: {  	s1 =	rddreg [dreg:$0x1];
	p0 =	sne.s32 s2, $0x0  }
0x46: {  	s3 =	rddreg [dreg:$0x2];
	[bflag:$0x3] =	sbarrier.arrive $0xFFFF;
	s2 =	simm.s32 @!p0 $0x1C01  }
0x47: {  	[timem:s3], [sflag:s2] =	dma.local @!p0 [hbm:s0], s1  }
0x48: {  	s0 =	simm.s32 @!p0 $0x1  }
0x49: {  	_ =	swait.ge @!p0 [sflag:s0], s1  }
0x4a: {  	s1 =	ssub.s32 @!p0 $0x0, s1;
	[sflag:s0] =	ssyncset.done @!p0 $0x0  }
0x4b: {  	[sflag:s0] =	ssyncadd.s32 @!p0 s1  }
0x4c: {  	[bflag:$0x3] =	sbarrier.arrive $0xFFFF  }
0x4d: {  	_ =	shalt  }

</sc_bundles>
